<compile_context>
chip_gen: v7x
topology: tpu7x:2x2x1
jax: 0.10.2.dev20260603
libtpu: 0.0.44.dev20260713+nightly
codegen_flags: <defaults>
</compile_context>

<pallas_src>
import functools
import math

import jax
import jax.numpy as jnp
from jax import lax
from jax.experimental import pallas as pl
from jax.experimental.pallas import tpu as pltpu
from jax.experimental.pallas import tpu_sc as plsc

D_MODEL = 64
SCALE = math.sqrt(D_MODEL)
NC, NS = 2, 16
NW = NC * NS
CHUNK = 512
SUB = 128
VEC = 16


def _emb_body(idx_hbm, lut_hbm, out_hbm, i0_v, i1_v, r0_v, r1_v, sem0, sem1):
    idxs = (i0_v, i1_v)
    rows = (r0_v, r1_v)
    sems = (sem0, sem1)
    wid = lax.axis_index("s") * NC + lax.axis_index("c")
    n_total = idx_hbm.shape[0]
    per_w = n_total // NW
    n_pairs = per_w // (2 * CHUNK)
    base = wid * per_w

    def fire(buf, chunk_i):
        row0 = base + chunk_i * CHUNK
        pltpu.sync_copy(idx_hbm.at[pl.ds(row0, CHUNK)], idxs[buf])
        for j in range(CHUNK // SUB):
            pltpu.async_copy(
                lut_hbm.at[idxs[buf].at[pl.ds(j * SUB, SUB)]],
                rows[buf].at[pl.ds(j * SUB, SUB)],
                sems[buf],
            )

    def finish(buf, chunk_i):
        row0 = base + chunk_i * CHUNK
        for j in range(CHUNK // SUB):
            pltpu.make_async_copy(
                lut_hbm.at[idxs[buf].at[pl.ds(j * SUB, SUB)]],
                rows[buf].at[pl.ds(j * SUB, SUB)],
                sems[buf],
            ).wait()

        def scale_row(r, c2):
            for v in range(D_MODEL // VEC):
                sl = pl.ds(v * VEC, VEC)
                rows[buf][r, sl] = rows[buf][r, sl] * SCALE
            return c2

        lax.fori_loop(0, CHUNK, scale_row, 0, unroll=4)
        pltpu.sync_copy(rows[buf], out_hbm.at[pl.ds(row0, CHUNK)])

    fire(0, 0)

    def pair_body(k, carry):
        fire(1, 2 * k + 1)
        finish(0, 2 * k)

        @pl.when(k + 1 < n_pairs)
        def _():
            fire(0, 2 * k + 2)

        finish(1, 2 * k + 1)
        return carry

    lax.fori_loop(0, n_pairs, pair_body, 0)


def kernel(x, lut):
    b, t = x.shape
    n = b * t
    idx = jnp.minimum(x, lut.shape[0] - 1).reshape(n).astype(jnp.int32)
    mesh = plsc.VectorSubcoreMesh(
        core_axis_name="c", subcore_axis_name="s",
        num_cores=NC, num_subcores=NS,
    )
    run = pl.kernel(
        _emb_body,
        out_type=jax.ShapeDtypeStruct((n, D_MODEL), jnp.float32),
        mesh=mesh,
        scratch_types=[
            pltpu.VMEM((CHUNK,), jnp.int32),
            pltpu.VMEM((CHUNK,), jnp.int32),
            pltpu.VMEM((CHUNK, D_MODEL), jnp.float32),
            pltpu.VMEM((CHUNK, D_MODEL), jnp.float32),
            pltpu.SemaphoreType.DMA,
            pltpu.SemaphoreType.DMA,
        ],
        compiler_params=pltpu.CompilerParams(use_tc_tiling_on_sc=False),
    )
    out = run(idx, lut)
    return out.reshape(b, t, D_MODEL)

# --- scband reference (transcript-rebuilt; emitter-appended) ---
"""Pipeline reference for scband-embeddings-7610682048612 (READ-ONLY COPY).

The authoritative reference and input builder live on the scoring server;
editing this copy changes nothing except your own understanding.
"""

import jax, jax.numpy as jnp
import numpy as np
import math

D_MODEL = 64
VOCAB = 1000000

def setup_inputs(seed: int = 0) -> dict:
    key = jax.random.key(seed)
    k1, k2 = jax.random.split(key)
    x = jax.random.randint(k1, (4096, 200), 0, VOCAB, dtype=jnp.int64 if jax.config.jax_enable_x64 else jnp.int32)
    lut = jax.random.normal(k2, (VOCAB, D_MODEL), dtype=jnp.float32)
    return {"x": x, "lut": lut}

def reference(x, lut):
    # Faithful to: self.lut(x) * math.sqrt(self.d_model)
    emb = jnp.take(lut, x, axis=0)
    return emb * math.sqrt(D_MODEL)

if __name__ == "__main__":
    import jax
    _d = setup_inputs()
    print(jax.jit(kernel)(*tuple(_d.values())))

</pallas_src>

<mosaic_0001>
#map = affine_map<(d0, d1) -> (0)>
#map1 = affine_map<(d0, d1) -> (0, 0)>
module attributes {stable_mosaic.version = 14 : i64} {
  func.func @_emb_body(%arg0: i32, %arg1: i32, %arg2: memref<819200xi32, #tpu.memory_space<hbm>>, %arg3: memref<1000000x64xf32, #tpu.memory_space<hbm>>, %arg4: memref<819200x64xf32, #tpu.memory_space<hbm>>, %arg5: memref<512xi32, #tpu.memory_space<vmem>>, %arg6: memref<512xi32, #tpu.memory_space<vmem>>, %arg7: memref<512x64xf32, #tpu.memory_space<vmem>>, %arg8: memref<512x64xf32, #tpu.memory_space<vmem>>, %arg9: memref<!tpu.dma_semaphore, #tpu.memory_space<semaphore_mem>>, %arg10: memref<!tpu.dma_semaphore, #tpu.memory_space<semaphore_mem>>) attributes {dimension_semantics = [#tpu.dimension_semantics<core_parallel>, #tpu.dimension_semantics<subcore_parallel>], iteration_bounds = array<i64: 2, 16>, scalar_prefetch = 0 : i64, scratch_operands = 6 : i64, tpu.core_type = #tpu.core_type<sc_vector_subcore>, window_params = [{transform_indices = #map}, {transform_indices = #map1}, {transform_indices = #map1}]} {
    %mul3A = arith.constant 2 : i32
    %mul3A_0 = arith.muli %arg1, %mul3A : i32
    %add3A = arith.addi %mul3A_0, %arg0 : i32
    %mul3A_1 = arith.constant 25600 : i32
    %mul3A_2 = arith.muli %add3A, %mul3A_1 : i32
    %add3A_3 = arith.constant 0 : i32
    %add3A_4 = arith.addi %mul3A_2, %add3A_3 : i32
    "tpu.region"() ({
      %run_scoped3A = tpu.sem_alloc : memref<!tpu.dma_semaphore, #tpu.memory_space<semaphore_mem>>
      %dma_start3A_41 = tpu.memref_slice %arg2[%add3A_4] : memref<819200xi32, #tpu.memory_space<hbm>> -> memref<512xi32, #tpu.memory_space<hbm>>
      %dma_start3A_42 = tpu.memref_slice %arg2[%add3A_4] : memref<819200xi32, #tpu.memory_space<hbm>> -> memref<512xi32, #tpu.memory_space<hbm>>
      tpu.enqueue_dma source(%dma_start3A_42 : memref<512xi32, #tpu.memory_space<hbm>>) target(%arg5 : memref<512xi32, #tpu.memory_space<vmem>>) target_semaphore(%run_scoped3A : memref<!tpu.dma_semaphore, #tpu.memory_space<semaphore_mem>>)
      %dma_wait3A = tpu.memref_slice %arg2[%add3A_4] : memref<819200xi32, #tpu.memory_space<hbm>> -> memref<512xi32, #tpu.memory_space<hbm>>
      %dma_wait3A_43 = tpu.memref_slice %arg2[%add3A_4] : memref<819200xi32, #tpu.memory_space<hbm>> -> memref<512xi32, #tpu.memory_space<hbm>>
      tpu.wait_dma2 semaphore(%run_scoped3A : memref<!tpu.dma_semaphore, #tpu.memory_space<semaphore_mem>>) src(%dma_wait3A_43 : memref<512xi32, #tpu.memory_space<hbm>>) dst(%arg5 : memref<512xi32, #tpu.memory_space<vmem>>)
      tpu.yield
    }) : () -> ()
    %dma_start3A = arith.constant 0 : i32
    %dma_start3A_5 = arith.constant 0 : i32
    %dma_start3A_6 = tpu.memref_slice %arg7[%dma_start3A, %dma_start3A_5] : memref<512x64xf32, #tpu.memory_space<vmem>> -> memref<128x64xf32, #tpu.memory_space<vmem>>
    %dma_start3A_7 = arith.constant 0 : i32
    %dma_start3A_8 = tpu.memref_slice %arg5[%dma_start3A_7] : memref<512xi32, #tpu.memory_space<vmem>> -> memref<128xi32, #tpu.memory_space<vmem>>
    %dma_start3A_9 = arith.constant 0 : i32
    %dma_start3A_10 = arith.constant 0 : i32
    %dma_start3A_11 = tpu.memref_slice %arg3[%dma_start3A_9, %dma_start3A_10] : memref<1000000x64xf32, #tpu.memory_space<hbm>> -> memref<1000000x64xf32, #tpu.memory_space<hbm>>
    tpu.enqueue_indirect_dma source(%dma_start3A_11 : memref<1000000x64xf32, #tpu.memory_space<hbm>>) target(%dma_start3A_6 : memref<128x64xf32, #tpu.memory_space<vmem>>) offsets(%dma_start3A_8 : memref<128xi32, #tpu.memory_space<vmem>>) semaphore(%arg9 : memref<!tpu.dma_semaphore, #tpu.memory_space<semaphore_mem>>)
    %dma_start3A_12 = arith.constant 128 : i32
    %dma_start3A_13 = arith.constant 0 : i32
    %dma_start3A_14 = tpu.memref_slice %arg7[%dma_start3A_12, %dma_start3A_13] : memref<512x64xf32, #tpu.memory_space<vmem>> -> memref<128x64xf32, #tpu.memory_space<vmem>>
    %dma_start3A_15 = arith.constant 128 : i32
    %dma_start3A_16 = tpu.memref_slice %arg5[%dma_start3A_15] : memref<512xi32, #tpu.memory_space<vmem>> -> memref<128xi32, #tpu.memory_space<vmem>>
    %dma_start3A_17 = arith.constant 0 : i32
    %dma_start3A_18 = arith.constant 0 : i32
    %dma_start3A_19 = tpu.memref_slice %arg3[%dma_start3A_17, %dma_start3A_18] : memref<1000000x64xf32, #tpu.memory_space<hbm>> -> memref<1000000x64xf32, #tpu.memory_space<hbm>>
    tpu.enqueue_indirect_dma source(%dma_start3A_19 : memref<1000000x64xf32, #tpu.memory_space<hbm>>) target(%dma_start3A_14 : memref<128x64xf32, #tpu.memory_space<vmem>>) offsets(%dma_start3A_16 : memref<128xi32, #tpu.memory_space<vmem>>) semaphore(%arg9 : memref<!tpu.dma_semaphore, #tpu.memory_space<semaphore_mem>>)
    %dma_start3A_20 = arith.constant 256 : i32
    %dma_start3A_21 = arith.constant 0 : i32
    %dma_start3A_22 = tpu.memref_slice %arg7[%dma_start3A_20, %dma_start3A_21] : memref<512x64xf32, #tpu.memory_space<vmem>> -> memref<128x64xf32, #tpu.memory_space<vmem>>
    %dma_start3A_23 = arith.constant 256 : i32
    %dma_start3A_24 = tpu.memref_slice %arg5[%dma_start3A_23] : memref<512xi32, #tpu.memory_space<vmem>> -> memref<128xi32, #tpu.memory_space<vmem>>
    %dma_start3A_25 = arith.constant 0 : i32
    %dma_start3A_26 = arith.constant 0 : i32
    %dma_start3A_27 = tpu.memref_slice %arg3[%dma_start3A_25, %dma_start3A_26] : memref<1000000x64xf32, #tpu.memory_space<hbm>> -> memref<1000000x64xf32, #tpu.memory_space<hbm>>
    tpu.enqueue_indirect_dma source(%dma_start3A_27 : memref<1000000x64xf32, #tpu.memory_space<hbm>>) target(%dma_start3A_22 : memref<128x64xf32, #tpu.memory_space<vmem>>) offsets(%dma_start3A_24 : memref<128xi32, #tpu.memory_space<vmem>>) semaphore(%arg9 : memref<!tpu.dma_semaphore, #tpu.memory_space<semaphore_mem>>)
    %dma_start3A_28 = arith.constant 384 : i32
    %dma_start3A_29 = arith.constant 0 : i32
    %dma_start3A_30 = tpu.memref_slice %arg7[%dma_start3A_28, %dma_start3A_29] : memref<512x64xf32, #tpu.memory_space<vmem>> -> memref<128x64xf32, #tpu.memory_space<vmem>>
    %dma_start3A_31 = arith.constant 384 : i32
    %dma_start3A_32 = tpu.memref_slice %arg5[%dma_start3A_31] : memref<512xi32, #tpu.memory_space<vmem>> -> memref<128xi32, #tpu.memory_space<vmem>>
    %dma_start3A_33 = arith.constant 0 : i32
    %dma_start3A_34 = arith.constant 0 : i32
    %dma_start3A_35 = tpu.memref_slice %arg3[%dma_start3A_33, %dma_start3A_34] : memref<1000000x64xf32, #tpu.memory_space<hbm>> -> memref<1000000x64xf32, #tpu.memory_space<hbm>>
    tpu.enqueue_indirect_dma source(%dma_start3A_35 : memref<1000000x64xf32, #tpu.memory_space<hbm>>) target(%dma_start3A_30 : memref<128x64xf32, #tpu.memory_space<vmem>>) offsets(%dma_start3A_32 : memref<128xi32, #tpu.memory_space<vmem>>) semaphore(%arg9 : memref<!tpu.dma_semaphore, #tpu.memory_space<semaphore_mem>>)
    %scan3A = arith.constant 0 : i32
    %scan3A_36 = arith.constant 0 : i32
    %scan3A_37 = arith.constant 25 : i32
    %scan3A_38 = arith.addi %scan3A_36, %scan3A_37 : i32
    %scan3A_39 = arith.constant 1 : i32
    scf.for %scan3A_41 = %scan3A_36 to %scan3A_38 step %scan3A_39  : i32 {
      %mul3A_42 = arith.constant 2 : i32
      %mul3A_43 = arith.muli %mul3A_42, %scan3A_41 : i32
      %add3A_44 = arith.constant 1 : i32
      %add3A_45 = arith.addi %mul3A_43, %add3A_44 : i32
      %mul3A_46 = arith.constant 512 : i32
      %mul3A_47 = arith.muli %add3A_45, %mul3A_46 : i32
      %add3A_48 = arith.addi %mul3A_2, %mul3A_47 : i32
      "tpu.region"() ({
        %run_scoped3A = tpu.sem_alloc : memref<!tpu.dma_semaphore, #tpu.memory_space<semaphore_mem>>
        %dma_start3A_172 = tpu.memref_slice %arg2[%add3A_48] : memref<819200xi32, #tpu.memory_space<hbm>> -> memref<512xi32, #tpu.memory_space<hbm>>
        %dma_start3A_173 = tpu.memref_slice %arg2[%add3A_48] : memref<819200xi32, #tpu.memory_space<hbm>> -> memref<512xi32, #tpu.memory_space<hbm>>
        tpu.enqueue_dma source(%dma_start3A_173 : memref<512xi32, #tpu.memory_space<hbm>>) target(%arg6 : memref<512xi32, #tpu.memory_space<vmem>>) target_semaphore(%run_scoped3A : memref<!tpu.dma_semaphore, #tpu.memory_space<semaphore_mem>>)
        %dma_wait3A_174 = tpu.memref_slice %arg2[%add3A_48] : memref<819200xi32, #tpu.memory_space<hbm>> -> memref<512xi32, #tpu.memory_space<hbm>>
        %dma_wait3A_175 = tpu.memref_slice %arg2[%add3A_48] : memref<819200xi32, #tpu.memory_space<hbm>> -> memref<512xi32, #tpu.memory_space<hbm>>
        tpu.wait_dma2 semaphore(%run_scoped3A : memref<!tpu.dma_semaphore, #tpu.memory_space<semaphore_mem>>) src(%dma_wait3A_175 : memref<512xi32, #tpu.memory_space<hbm>>) dst(%arg6 : memref<512xi32, #tpu.memory_space<vmem>>)
        tpu.yield
      }) : () -> ()
      %dma_start3A_49 = arith.constant 0 : i32
      %dma_start3A_50 = arith.constant 0 : i32
      %dma_start3A_51 = tpu.memref_slice %arg8[%dma_start3A_49, %dma_start3A_50] : memref<512x64xf32, #tpu.memory_space<vmem>> -> memref<128x64xf32, #tpu.memory_space<vmem>>
      %dma_start3A_52 = arith.constant 0 : i32
      %dma_start3A_53 = tpu.memref_slice %arg6[%dma_start3A_52] : memref<512xi32, #tpu.memory_space<vmem>> -> memref<128xi32, #tpu.memory_space<vmem>>
      %dma_start3A_54 = arith.constant 0 : i32
      %dma_start3A_55 = arith.constant 0 : i32
      %dma_start3A_56 = tpu.memref_slice %arg3[%dma_start3A_54, %dma_start3A_55] : memref<1000000x64xf32, #tpu.memory_space<hbm>> -> memref<1000000x64xf32, #tpu.memory_space<hbm>>
      tpu.enqueue_indirect_dma source(%dma_start3A_56 : memref<1000000x64xf32, #tpu.memory_space<hbm>>) target(%dma_start3A_51 : memref<128x64xf32, #tpu.memory_space<vmem>>) offsets(%dma_start3A_53 : memref<128xi32, #tpu.memory_space<vmem>>) semaphore(%arg10 : memref<!tpu.dma_semaphore, #tpu.memory_space<semaphore_mem>>)
      %dma_start3A_57 = arith.constant 128 : i32
      %dma_start3A_58 = arith.constant 0 : i32
      %dma_start3A_59 = tpu.memref_slice %arg8[%dma_start3A_57, %dma_start3A_58] : memref<512x64xf32, #tpu.memory_space<vmem>> -> memref<128x64xf32, #tpu.memory_space<vmem>>
      %dma_start3A_60 = arith.constant 128 : i32
      %dma_start3A_61 = tpu.memref_slice %arg6[%dma_start3A_60] : memref<512xi32, #tpu.memory_space<vmem>> -> memref<128xi32, #tpu.memory_space<vmem>>
      %dma_start3A_62 = arith.constant 0 : i32
      %dma_start3A_63 = arith.constant 0 : i32
      %dma_start3A_64 = tpu.memref_slice %arg3[%dma_start3A_62, %dma_start3A_63] : memref<1000000x64xf32, #tpu.memory_space<hbm>> -> memref<1000000x64xf32, #tpu.memory_space<hbm>>
      tpu.enqueue_indirect_dma source(%dma_start3A_64 : memref<1000000x64xf32, #tpu.memory_space<hbm>>) target(%dma_start3A_59 : memref<128x64xf32, #tpu.memory_space<vmem>>) offsets(%dma_start3A_61 : memref<128xi32, #tpu.memory_space<vmem>>) semaphore(%arg10 : memref<!tpu.dma_semaphore, #tpu.memory_space<semaphore_mem>>)
      %dma_start3A_65 = arith.constant 256 : i32
      %dma_start3A_66 = arith.constant 0 : i32
      %dma_start3A_67 = tpu.memref_slice %arg8[%dma_start3A_65, %dma_start3A_66] : memref<512x64xf32, #tpu.memory_space<vmem>> -> memref<128x64xf32, #tpu.memory_space<vmem>>
      %dma_start3A_68 = arith.constant 256 : i32
      %dma_start3A_69 = tpu.memref_slice %arg6[%dma_start3A_68] : memref<512xi32, #tpu.memory_space<vmem>> -> memref<128xi32, #tpu.memory_space<vmem>>
      %dma_start3A_70 = arith.constant 0 : i32
      %dma_start3A_71 = arith.constant 0 : i32
      %dma_start3A_72 = tpu.memref_slice %arg3[%dma_start3A_70, %dma_start3A_71] : memref<1000000x64xf32, #tpu.memory_space<hbm>> -> memref<1000000x64xf32, #tpu.memory_space<hbm>>
      tpu.enqueue_indirect_dma source(%dma_start3A_72 : memref<1000000x64xf32, #tpu.memory_space<hbm>>) target(%dma_start3A_67 : memref<128x64xf32, #tpu.memory_space<vmem>>) offsets(%dma_start3A_69 : memref<128xi32, #tpu.memory_space<vmem>>) semaphore(%arg10 : memref<!tpu.dma_semaphore, #tpu.memory_space<semaphore_mem>>)
      %dma_start3A_73 = arith.constant 384 : i32
      %dma_start3A_74 = arith.constant 0 : i32
      %dma_start3A_75 = tpu.memref_slice %arg8[%dma_start3A_73, %dma_start3A_74] : memref<512x64xf32, #tpu.memory_space<vmem>> -> memref<128x64xf32, #tpu.memory_space<vmem>>
      %dma_start3A_76 = arith.constant 384 : i32
      %dma_start3A_77 = tpu.memref_slice %arg6[%dma_start3A_76] : memref<512xi32, #tpu.memory_space<vmem>> -> memref<128xi32, #tpu.memory_space<vmem>>
      %dma_start3A_78 = arith.constant 0 : i32
      %dma_start3A_79 = arith.constant 0 : i32
      %dma_start3A_80 = tpu.memref_slice %arg3[%dma_start3A_78, %dma_start3A_79] : memref<1000000x64xf32, #tpu.memory_space<hbm>> -> memref<1000000x64xf32, #tpu.memory_space<hbm>>
      tpu.enqueue_indirect_dma source(%dma_start3A_80 : memref<1000000x64xf32, #tpu.memory_space<hbm>>) target(%dma_start3A_75 : memref<128x64xf32, #tpu.memory_space<vmem>>) offsets(%dma_start3A_77 : memref<128xi32, #tpu.memory_space<vmem>>) semaphore(%arg10 : memref<!tpu.dma_semaphore, #tpu.memory_space<semaphore_mem>>)
      %mul3A_81 = arith.constant 2 : i32
      %mul3A_82 = arith.muli %mul3A_81, %scan3A_41 : i32
      %mul3A_83 = arith.constant 512 : i32
      %mul3A_84 = arith.muli %mul3A_82, %mul3A_83 : i32
      %add3A_85 = arith.addi %mul3A_2, %mul3A_84 : i32
      %dma_wait3A = arith.constant 0 : i32
      %dma_wait3A_86 = arith.constant 0 : i32
      %dma_wait3A_87 = tpu.memref_slice %arg7[%dma_wait3A, %dma_wait3A_86] : memref<512x64xf32, #tpu.memory_space<vmem>> -> memref<128x64xf32, #tpu.memory_space<vmem>>
      %dma_wait3A_88 = arith.constant 0 : i32
      %dma_wait3A_89 = tpu.memref_slice %arg5[%dma_wait3A_88] : memref<512xi32, #tpu.memory_space<vmem>> -> memref<128xi32, #tpu.memory_space<vmem>>
      %dma_wait3A_90 = arith.constant 0 : i32
      %dma_wait3A_91 = arith.constant 0 : i32
      %dma_wait3A_92 = tpu.memref_slice %arg3[%dma_wait3A_90, %dma_wait3A_91] : memref<1000000x64xf32, #tpu.memory_space<hbm>> -> memref<1000000x64xf32, #tpu.memory_space<hbm>>
      tpu.wait_indirect_dma semaphore(%arg9 : memref<!tpu.dma_semaphore, #tpu.memory_space<semaphore_mem>>) src(%dma_wait3A_92 : memref<1000000x64xf32, #tpu.memory_space<hbm>>) dst(%dma_wait3A_87 : memref<128x64xf32, #tpu.memory_space<vmem>>)
      %dma_wait3A_93 = arith.constant 128 : i32
      %dma_wait3A_94 = arith.constant 0 : i32
      %dma_wait3A_95 = tpu.memref_slice %arg7[%dma_wait3A_93, %dma_wait3A_94] : memref<512x64xf32, #tpu.memory_space<vmem>> -> memref<128x64xf32, #tpu.memory_space<vmem>>
      %dma_wait3A_96 = arith.constant 128 : i32
      %dma_wait3A_97 = tpu.memref_slice %arg5[%dma_wait3A_96] : memref<512xi32, #tpu.memory_space<vmem>> -> memref<128xi32, #tpu.memory_space<vmem>>
      %dma_wait3A_98 = arith.constant 0 : i32
      %dma_wait3A_99 = arith.constant 0 : i32
      %dma_wait3A_100 = tpu.memref_slice %arg3[%dma_wait3A_98, %dma_wait3A_99] : memref<1000000x64xf32, #tpu.memory_space<hbm>> -> memref<1000000x64xf32, #tpu.memory_space<hbm>>
      tpu.wait_indirect_dma semaphore(%arg9 : memref<!tpu.dma_semaphore, #tpu.memory_space<semaphore_mem>>) src(%dma_wait3A_100 : memref<1000000x64xf32, #tpu.memory_space<hbm>>) dst(%dma_wait3A_95 : memref<128x64xf32, #tpu.memory_space<vmem>>)
      %dma_wait3A_101 = arith.constant 256 : i32
      %dma_wait3A_102 = arith.constant 0 : i32
      %dma_wait3A_103 = tpu.memref_slice %arg7[%dma_wait3A_101, %dma_wait3A_102] : memref<512x64xf32, #tpu.memory_space<vmem>> -> memref<128x64xf32, #tpu.memory_space<vmem>>
      %dma_wait3A_104 = arith.constant 256 : i32
      %dma_wait3A_105 = tpu.memref_slice %arg5[%dma_wait3A_104] : memref<512xi32, #tpu.memory_space<vmem>> -> memref<128xi32, #tpu.memory_space<vmem>>
      %dma_wait3A_106 = arith.constant 0 : i32
      %dma_wait3A_107 = arith.constant 0 : i32
      %dma_wait3A_108 = tpu.memref_slice %arg3[%dma_wait3A_106, %dma_wait3A_107] : memref<1000000x64xf32, #tpu.memory_space<hbm>> -> memref<1000000x64xf32, #tpu.memory_space<hbm>>
      tpu.wait_indirect_dma semaphore(%arg9 : memref<!tpu.dma_semaphore, #tpu.memory_space<semaphore_mem>>) src(%dma_wait3A_108 : memref<1000000x64xf32, #tpu.memory_space<hbm>>) dst(%dma_wait3A_103 : memref<128x64xf32, #tpu.memory_space<vmem>>)
      %dma_wait3A_109 = arith.constant 384 : i32
      %dma_wait3A_110 = arith.constant 0 : i32
      %dma_wait3A_111 = tpu.memref_slice %arg7[%dma_wait3A_109, %dma_wait3A_110] : memref<512x64xf32, #tpu.memory_space<vmem>> -> memref<128x64xf32, #tpu.memory_space<vmem>>
      %dma_wait3A_112 = arith.constant 384 : i32
      %dma_wait3A_113 = tpu.memref_slice %arg5[%dma_wait3A_112] : memref<512xi32, #tpu.memory_space<vmem>> -> memref<128xi32, #tpu.memory_space<vmem>>
      %dma_wait3A_114 = arith.constant 0 : i32
      %dma_wait3A_115 = arith.constant 0 : i32
      %dma_wait3A_116 = tpu.memref_slice %arg3[%dma_wait3A_114, %dma_wait3A_115] : memref<1000000x64xf32, #tpu.memory_space<hbm>> -> memref<1000000x64xf32, #tpu.memory_space<hbm>>
      tpu.wait_indirect_dma semaphore(%arg9 : memref<!tpu.dma_semaphore, #tpu.memory_space<semaphore_mem>>) src(%dma_wait3A_116 : memref<1000000x64xf32, #tpu.memory_space<hbm>>) dst(%dma_wait3A_111 : memref<128x64xf32, #tpu.memory_space<vmem>>)
      %scan3A_117 = arith.constant 0 : i32
      %scan3A_118 = arith.constant 0 : i32
      %scan3A_119 = arith.constant 512 : i32
      %scan3A_120 = arith.addi %scan3A_118, %scan3A_119 : i32
      %scan3A_121 = arith.constant 4 : i32
      scf.for %scan3A_172 = %scan3A_118 to %scan3A_120 step %scan3A_121  : i32 {
        %get3A = arith.index_cast %scan3A_172 : i32 to index
        %get3A_173 = arith.constant 0 : index
        %get3A_174 = tpu.vector_load %arg7[%get3A, %get3A_173] {strides = array<i32>} : memref<512x64xf32, #tpu.memory_space<vmem>>, vector<1x16xf32>,
        %get3A_175 = vector.shape_cast %get3A_174 : vector<1x16xf32> to vector<16xf32>
        %mul3A_176 = arith.constant 8.000000e+00 : f32
        %mul3A_177 = vector.broadcast %mul3A_176 : f32 to vector<16xf32>
        %mul3A_178 = arith.mulf %get3A_175, %mul3A_177 : vector<16xf32>
        %swap3A = arith.index_cast %scan3A_172 : i32 to index
        %swap3A_179 = arith.constant 0 : index
        %swap3A_180 = tpu.vector_load %arg7[%swap3A, %swap3A_179] {strides = array<i32>} : memref<512x64xf32, #tpu.memory_space<vmem>>, vector<1x16xf32>,
        %swap3A_181 = vector.shape_cast %swap3A_180 : vector<1x16xf32> to vector<16xf32>
        %swap3A_182 = vector.shape_cast %mul3A_178 : vector<16xf32> to vector<1x16xf32>
        tpu.vector_store %arg7[%swap3A, %swap3A_179], %swap3A_182 {strides = array<i32>} : memref<512x64xf32, #tpu.memory_space<vmem>>, vector<1x16xf32>,
        %get3A_183 = arith.index_cast %scan3A_172 : i32 to index
        %get3A_184 = arith.constant 16 : index
        %get3A_185 = tpu.vector_load %arg7[%get3A_183, %get3A_184] {strides = array<i32>} : memref<512x64xf32, #tpu.memory_space<vmem>>, vector<1x16xf32>,
        %get3A_186 = vector.shape_cast %get3A_185 : vector<1x16xf32> to vector<16xf32>
        %mul3A_187 = arith.constant 8.000000e+00 : f32
        %mul3A_188 = vector.broadcast %mul3A_187 : f32 to vector<16xf32>
        %mul3A_189 = arith.mulf %get3A_186, %mul3A_188 : vector<16xf32>
        %swap3A_190 = arith.index_cast %scan3A_172 : i32 to index
        %swap3A_191 = arith.constant 16 : index
        %swap3A_192 = tpu.vector_load %arg7[%swap3A_190, %swap3A_191] {strides = array<i32>} : memref<512x64xf32, #tpu.memory_space<vmem>>, vector<1x16xf32>,
        %swap3A_193 = vector.shape_cast %swap3A_192 : vector<1x16xf32> to vector<16xf32>
        %swap3A_194 = vector.shape_cast %mul3A_189 : vector<16xf32> to vector<1x16xf32>
        tpu.vector_store %arg7[%swap3A_190, %swap3A_191], %swap3A_194 {strides = array<i32>} : memref<512x64xf32, #tpu.memory_space<vmem>>, vector<1x16xf32>,
        %get3A_195 = arith.index_cast %scan3A_172 : i32 to index
        %get3A_196 = arith.constant 32 : index
        %get3A_197 = tpu.vector_load %arg7[%get3A_195, %get3A_196] {strides = array<i32>} : memref<512x64xf32, #tpu.memory_space<vmem>>, vector<1x16xf32>,
        %get3A_198 = vector.shape_cast %get3A_197 : vector<1x16xf32> to vector<16xf32>
        %mul3A_199 = arith.constant 8.000000e+00 : f32
        %mul3A_200 = vector.broadcast %mul3A_199 : f32 to vector<16xf32>
        %mul3A_201 = arith.mulf %get3A_198, %mul3A_200 : vector<16xf32>
        %swap3A_202 = arith.index_cast %scan3A_172 : i32 to index
        %swap3A_203 = arith.constant 32 : index
        %swap3A_204 = tpu.vector_load %arg7[%swap3A_202, %swap3A_203] {strides = array<i32>} : memref<512x64xf32, #tpu.memory_space<vmem>>, vector<1x16xf32>,
        %swap3A_205 = vector.shape_cast %swap3A_204 : vector<1x16xf32> to vector<16xf32>
        %swap3A_206 = vector.shape_cast %mul3A_201 : vector<16xf32> to vector<1x16xf32>
        tpu.vector_store %arg7[%swap3A_202, %swap3A_203], %swap3A_206 {strides = array<i32>} : memref<512x64xf32, #tpu.memory_space<vmem>>, vector<1x16xf32>,
        %get3A_207 = arith.index_cast %scan3A_172 : i32 to index
        %get3A_208 = arith.constant 48 : index
        %get3A_209 = tpu.vector_load %arg7[%get3A_207, %get3A_208] {strides = array<i32>} : memref<512x64xf32, #tpu.memory_space<vmem>>, vector<1x16xf32>,
        %get3A_210 = vector.shape_cast %get3A_209 : vector<1x16xf32> to vector<16xf32>
        %mul3A_211 = arith.constant 8.000000e+00 : f32
        %mul3A_212 = vector.broadcast %mul3A_211 : f32 to vector<16xf32>
        %mul3A_213 = arith.mulf %get3A_210, %mul3A_212 : vector<16xf32>
        %swap3A_214 = arith.index_cast %scan3A_172 : i32 to index
        %swap3A_215 = arith.constant 48 : index
        %swap3A_216 = tpu.vector_load %arg7[%swap3A_214, %swap3A_215] {strides = array<i32>} : memref<512x64xf32, #tpu.memory_space<vmem>>, vector<1x16xf32>,
        %swap3A_217 = vector.shape_cast %swap3A_216 : vector<1x16xf32> to vector<16xf32>
        %swap3A_218 = vector.shape_cast %mul3A_213 : vector<16xf32> to vector<1x16xf32>
        tpu.vector_store %arg7[%swap3A_214, %swap3A_215], %swap3A_218 {strides = array<i32>} : memref<512x64xf32, #tpu.memory_space<vmem>>, vector<1x16xf32>,
        %scan3A_219 = arith.constant 1 : i32
        %scan3A_220 = arith.addi %scan3A_172, %scan3A_219 : i32
        %get3A_221 = arith.index_cast %scan3A_220 : i32 to index
        %get3A_222 = arith.constant 0 : index
        %get3A_223 = tpu.vector_load %arg7[%get3A_221, %get3A_222] {strides = array<i32>} : memref<512x64xf32, #tpu.memory_space<vmem>>, vector<1x16xf32>,
        %get3A_224 = vector.shape_cast %get3A_223 : vector<1x16xf32> to vector<16xf32>
        %mul3A_225 = arith.constant 8.000000e+00 : f32
        %mul3A_226 = vector.broadcast %mul3A_225 : f32 to vector<16xf32>
        %mul3A_227 = arith.mulf %get3A_224, %mul3A_226 : vector<16xf32>
        %swap3A_228 = arith.index_cast %scan3A_220 : i32 to index
        %swap3A_229 = arith.constant 0 : index
        %swap3A_230 = tpu.vector_load %arg7[%swap3A_228, %swap3A_229] {strides = array<i32>} : memref<512x64xf32, #tpu.memory_space<vmem>>, vector<1x16xf32>,
        %swap3A_231 = vector.shape_cast %swap3A_230 : vector<1x16xf32> to vector<16xf32>
        %swap3A_232 = vector.shape_cast %mul3A_227 : vector<16xf32> to vector<1x16xf32>
        tpu.vector_store %arg7[%swap3A_228, %swap3A_229], %swap3A_232 {strides = array<i32>} : memref<512x64xf32, #tpu.memory_space<vmem>>, vector<1x16xf32>,
        %get3A_233 = arith.index_cast %scan3A_220 : i32 to index
        %get3A_234 = arith.constant 16 : index
        %get3A_235 = tpu.vector_load %arg7[%get3A_233, %get3A_234] {strides = array<i32>} : memref<512x64xf32, #tpu.memory_space<vmem>>, vector<1x16xf32>,
        %get3A_236 = vector.shape_cast %get3A_235 : vector<1x16xf32> to vector<16xf32>
        %mul3A_237 = arith.constant 8.000000e+00 : f32
        %mul3A_238 = vector.broadcast %mul3A_237 : f32 to vector<16xf32>
        %mul3A_239 = arith.mulf %get3A_236, %mul3A_238 : vector<16xf32>
        %swap3A_240 = arith.index_cast %scan3A_220 : i32 to index
        %swap3A_241 = arith.constant 16 : index
        %swap3A_242 = tpu.vector_load %arg7[%swap3A_240, %swap3A_241] {strides = array<i32>} : memref<512x64xf32, #tpu.memory_space<vmem>>, vector<1x16xf32>,
        %swap3A_243 = vector.shape_cast %swap3A_242 : vector<1x16xf32> to vector<16xf32>
        %swap3A_244 = vector.shape_cast %mul3A_239 : vector<16xf32> to vector<1x16xf32>
        tpu.vector_store %arg7[%swap3A_240, %swap3A_241], %swap3A_244 {strides = array<i32>} : memref<512x64xf32, #tpu.memory_space<vmem>>, vector<1x16xf32>,
        %get3A_245 = arith.index_cast %scan3A_220 : i32 to index
        %get3A_246 = arith.constant 32 : index
        %get3A_247 = tpu.vector_load %arg7[%get3A_245, %get3A_246] {strides = array<i32>} : memref<512x64xf32, #tpu.memory_space<vmem>>, vector<1x16xf32>,
        %get3A_248 = vector.shape_cast %get3A_247 : vector<1x16xf32> to vector<16xf32>
        %mul3A_249 = arith.constant 8.000000e+00 : f32
        %mul3A_250 = vector.broadcast %mul3A_249 : f32 to vector<16xf32>
        %mul3A_251 = arith.mulf %get3A_248, %mul3A_250 : vector<16xf32>
        %swap3A_252 = arith.index_cast %scan3A_220 : i32 to index
        %swap3A_253 = arith.constant 32 : index
        %swap3A_254 = tpu.vector_load %arg7[%swap3A_252, %swap3A_253] {strides = array<i32>} : memref<512x64xf32, #tpu.memory_space<vmem>>, vector<1x16xf32>,
        %swap3A_255 = vector.shape_cast %swap3A_254 : vector<1x16xf32> to vector<16xf32>
        %swap3A_256 = vector.shape_cast %mul3A_251 : vector<16xf32> to vector<1x16xf32>
        tpu.vector_store %arg7[%swap3A_252, %swap3A_253], %swap3A_256 {strides = array<i32>} : memref<512x64xf32, #tpu.memory_space<vmem>>, vector<1x16xf32>,
        %get3A_257 = arith.index_cast %scan3A_220 : i32 to index
        %get3A_258 = arith.constant 48 : index
        %get3A_259 = tpu.vector_load %arg7[%get3A_257, %get3A_258] {strides = array<i32>} : memref<512x64xf32, #tpu.memory_space<vmem>>, vector<1x16xf32>,
        %get3A_260 = vector.shape_cast %get3A_259 : vector<1x16xf32> to vector<16xf32>
        %mul3A_261 = arith.constant 8.000000e+00 : f32
        %mul3A_262 = vector.broadcast %mul3A_261 : f32 to vector<16xf32>
        %mul3A_263 = arith.mulf %get3A_260, %mul3A_262 : vector<16xf32>
        %swap3A_264 = arith.index_cast %scan3A_220 : i32 to index
        %swap3A_265 = arith.constant 48 : index
        %swap3A_266 = tpu.vector_load %arg7[%swap3A_264, %swap3A_265] {strides = array<i32>} : memref<512x64xf32, #tpu.memory_space<vmem>>, vector<1x16xf32>,
        %swap3A_267 = vector.shape_cast %swap3A_266 : vector<1x16xf32> to vector<16xf32>
        %swap3A_268 = vector.shape_cast %mul3A_263 : vector<16xf32> to vector<1x16xf32>
        tpu.vector_store %arg7[%swap3A_264, %swap3A_265], %swap3A_268 {strides = array<i32>} : memref<512x64xf32, #tpu.memory_space<vmem>>, vector<1x16xf32>,
        %scan3A_269 = arith.constant 2 : i32
        %scan3A_270 = arith.addi %scan3A_172, %scan3A_269 : i32
        %get3A_271 = arith.index_cast %scan3A_270 : i32 to index
        %get3A_272 = arith.constant 0 : index
        %get3A_273 = tpu.vector_load %arg7[%get3A_271, %get3A_272] {strides = array<i32>} : memref<512x64xf32, #tpu.memory_space<vmem>>, vector<1x16xf32>,
        %get3A_274 = vector.shape_cast %get3A_273 : vector<1x16xf32> to vector<16xf32>
        %mul3A_275 = arith.constant 8.000000e+00 : f32
        %mul3A_276 = vector.broadcast %mul3A_275 : f32 to vector<16xf32>
        %mul3A_277 = arith.mulf %get3A_274, %mul3A_276 : vector<16xf32>
        %swap3A_278 = arith.index_cast %scan3A_270 : i32 to index
        %swap3A_279 = arith.constant 0 : index
        %swap3A_280 = tpu.vector_load %arg7[%swap3A_278, %swap3A_279] {strides = array<i32>} : memref<512x64xf32, #tpu.memory_space<vmem>>, vector<1x16xf32>,
        %swap3A_281 = vector.shape_cast %swap3A_280 : vector<1x16xf32> to vector<16xf32>
        %swap3A_282 = vector.shape_cast %mul3A_277 : vector<16xf32> to vector<1x16xf32>
        tpu.vector_store %arg7[%swap3A_278, %swap3A_279], %swap3A_282 {strides = array<i32>} : memref<512x64xf32, #tpu.memory_space<vmem>>, vector<1x16xf32>,
        %get3A_283 = arith.index_cast %scan3A_270 : i32 to index
        %get3A_284 = arith.constant 16 : index
        %get3A_285 = tpu.vector_load %arg7[%get3A_283, %get3A_284] {strides = array<i32>} : memref<512x64xf32, #tpu.memory_space<vmem>>, vector<1x16xf32>,
        %get3A_286 = vector.shape_cast %get3A_285 : vector<1x16xf32> to vector<16xf32>
        %mul3A_287 = arith.constant 8.000000e+00 : f32
        %mul3A_288 = vector.broadcast %mul3A_287 : f32 to vector<16xf32>
        %mul3A_289 = arith.mulf %get3A_286, %mul3A_288 : vector<16xf32>
        %swap3A_290 = arith.index_cast %scan3A_270 : i32 to index
        %swap3A_291 = arith.constant 16 : index
        %swap3A_292 = tpu.vector_load %arg7[%swap3A_290, %swap3A_291] {strides = array<i32>} : memref<512x64xf32, #tpu.memory_space<vmem>>, vector<1x16xf32>,
        %swap3A_293 = vector.shape_cast %swap3A_292 : vector<1x16xf32> to vector<16xf32>
        %swap3A_294 = vector.shape_cast %mul3A_289 : vector<16xf32> to vector<1x16xf32>
        tpu.vector_store %arg7[%swap3A_290, %swap3A_291], %swap3A_294 {strides = array<i32>} : memref<512x64xf32, #tpu.memory_space<vmem>>, vector<1x16xf32>,
        %get3A_295 = arith.index_cast %scan3A_270 : i32 to index
        %get3A_296 = arith.constant 32 : index
        %get3A_297 = tpu.vector_load %arg7[%get3A_295, %get3A_296] {strides = array<i32>} : memref<512x64xf32, #tpu.memory_space<vmem>>, vector<1x16xf32>,
        %get3A_298 = vector.shape_cast %get3A_297 : vector<1x16xf32> to vector<16xf32>
        %mul3A_299 = arith.constant 8.000000e+00 : f32
        %mul3A_300 = vector.broadcast %mul3A_299 : f32 to vector<16xf32>
        %mul3A_301 = arith.mulf %get3A_298, %mul3A_300 : vector<16xf32>
        %swap3A_302 = arith.index_cast %scan3A_270 : i32 to index
        %swap3A_303 = arith.constant 32 : index
        %swap3A_304 = tpu.vector_load %arg7[%swap3A_302, %swap3A_303] {strides = array<i32>} : memref<512x64xf32, #tpu.memory_space<vmem>>, vector<1x16xf32>,
        %swap3A_305 = vector.shape_cast %swap3A_304 : vector<1x16xf32> to vector<16xf32>
        %swap3A_306 = vector.shape_cast %mul3A_301 : vector<16xf32> to vector<1x16xf32>
        tpu.vector_store %arg7[%swap3A_302, %swap3A_303], %swap3A_306 {strides = array<i32>} : memref<512x64xf32, #tpu.memory_space<vmem>>, vector<1x16xf32>,
        %get3A_307 = arith.index_cast %scan3A_270 : i32 to index
        %get3A_308 = arith.constant 48 : index
        %get3A_309 = tpu.vector_load %arg7[%get3A_307, %get3A_308] {strides = array<i32>} : memref<512x64xf32, #tpu.memory_space<vmem>>, vector<1x16xf32>,
        %get3A_310 = vector.shape_cast %get3A_309 : vector<1x16xf32> to vector<16xf32>
        %mul3A_311 = arith.constant 8.000000e+00 : f32
        %mul3A_312 = vector.broadcast %mul3A_311 : f32 to vector<16xf32>
        %mul3A_313 = arith.mulf %get3A_310, %mul3A_312 : vector<16xf32>
        %swap3A_314 = arith.index_cast %scan3A_270 : i32 to index
        %swap3A_315 = arith.constant 48 : index
        %swap3A_316 = tpu.vector_load %arg7[%swap3A_314, %swap3A_315] {strides = array<i32>} : memref<512x64xf32, #tpu.memory_space<vmem>>, vector<1x16xf32>,
        %swap3A_317 = vector.shape_cast %swap3A_316 : vector<1x16xf32> to vector<16xf32>
        %swap3A_318 = vector.shape_cast %mul3A_313 : vector<16xf32> to vector<1x16xf32>
        tpu.vector_store %arg7[%swap3A_314, %swap3A_315], %swap3A_318 {strides = array<i32>} : memref<512x64xf32, #tpu.memory_space<vmem>>, vector<1x16xf32>,
        %scan3A_319 = arith.constant 3 : i32
        %scan3A_320 = arith.addi %scan3A_172, %scan3A_319 : i32
        %get3A_321 = arith.index_cast %scan3A_320 : i32 to index
        %get3A_322 = arith.constant 0 : index
        %get3A_323 = tpu.vector_load %arg7[%get3A_321, %get3A_322] {strides = array<i32>} : memref<512x64xf32, #tpu.memory_space<vmem>>, vector<1x16xf32>,
        %get3A_324 = vector.shape_cast %get3A_323 : vector<1x16xf32> to vector<16xf32>
        %mul3A_325 = arith.constant 8.000000e+00 : f32
        %mul3A_326 = vector.broadcast %mul3A_325 : f32 to vector<16xf32>
        %mul3A_327 = arith.mulf %get3A_324, %mul3A_326 : vector<16xf32>
        %swap3A_328 = arith.index_cast %scan3A_320 : i32 to index
        %swap3A_329 = arith.constant 0 : index
        %swap3A_330 = tpu.vector_load %arg7[%swap3A_328, %swap3A_329] {strides = array<i32>} : memref<512x64xf32, #tpu.memory_space<vmem>>, vector<1x16xf32>,
        %swap3A_331 = vector.shape_cast %swap3A_330 : vector<1x16xf32> to vector<16xf32>
        %swap3A_332 = vector.shape_cast %mul3A_327 : vector<16xf32> to vector<1x16xf32>
        tpu.vector_store %arg7[%swap3A_328, %swap3A_329], %swap3A_332 {strides = array<i32>} : memref<512x64xf32, #tpu.memory_space<vmem>>, vector<1x16xf32>,
        %get3A_333 = arith.index_cast %scan3A_320 : i32 to index
        %get3A_334 = arith.constant 16 : index
        %get3A_335 = tpu.vector_load %arg7[%get3A_333, %get3A_334] {strides = array<i32>} : memref<512x64xf32, #tpu.memory_space<vmem>>, vector<1x16xf32>,
        %get3A_336 = vector.shape_cast %get3A_335 : vector<1x16xf32> to vector<16xf32>
        %mul3A_337 = arith.constant 8.000000e+00 : f32
        %mul3A_338 = vector.broadcast %mul3A_337 : f32 to vector<16xf32>
        %mul3A_339 = arith.mulf %get3A_336, %mul3A_338 : vector<16xf32>
        %swap3A_340 = arith.index_cast %scan3A_320 : i32 to index
        %swap3A_341 = arith.constant 16 : index
        %swap3A_342 = tpu.vector_load %arg7[%swap3A_340, %swap3A_341] {strides = array<i32>} : memref<512x64xf32, #tpu.memory_space<vmem>>, vector<1x16xf32>,
        %swap3A_343 = vector.shape_cast %swap3A_342 : vector<1x16xf32> to vector<16xf32>
        %swap3A_344 = vector.shape_cast %mul3A_339 : vector<16xf32> to vector<1x16xf32>
        tpu.vector_store %arg7[%swap3A_340, %swap3A_341], %swap3A_344 {strides = array<i32>} : memref<512x64xf32, #tpu.memory_space<vmem>>, vector<1x16xf32>,
        %get3A_345 = arith.index_cast %scan3A_320 : i32 to index
        %get3A_346 = arith.constant 32 : index
        %get3A_347 = tpu.vector_load %arg7[%get3A_345, %get3A_346] {strides = array<i32>} : memref<512x64xf32, #tpu.memory_space<vmem>>, vector<1x16xf32>,
        %get3A_348 = vector.shape_cast %get3A_347 : vector<1x16xf32> to vector<16xf32>
        %mul3A_349 = arith.constant 8.000000e+00 : f32
        %mul3A_350 = vector.broadcast %mul3A_349 : f32 to vector<16xf32>
        %mul3A_351 = arith.mulf %get3A_348, %mul3A_350 : vector<16xf32>
        %swap3A_352 = arith.index_cast %scan3A_320 : i32 to index
        %swap3A_353 = arith.constant 32 : index
        %swap3A_354 = tpu.vector_load %arg7[%swap3A_352, %swap3A_353] {strides = array<i32>} : memref<512x64xf32, #tpu.memory_space<vmem>>, vector<1x16xf32>,
        %swap3A_355 = vector.shape_cast %swap3A_354 : vector<1x16xf32> to vector<16xf32>
        %swap3A_356 = vector.shape_cast %mul3A_351 : vector<16xf32> to vector<1x16xf32>
        tpu.vector_store %arg7[%swap3A_352, %swap3A_353], %swap3A_356 {strides = array<i32>} : memref<512x64xf32, #tpu.memory_space<vmem>>, vector<1x16xf32>,
        %get3A_357 = arith.index_cast %scan3A_320 : i32 to index
        %get3A_358 = arith.constant 48 : index
        %get3A_359 = tpu.vector_load %arg7[%get3A_357, %get3A_358] {strides = array<i32>} : memref<512x64xf32, #tpu.memory_space<vmem>>, vector<1x16xf32>,
        %get3A_360 = vector.shape_cast %get3A_359 : vector<1x16xf32> to vector<16xf32>
        %mul3A_361 = arith.constant 8.000000e+00 : f32
        %mul3A_362 = vector.broadcast %mul3A_361 : f32 to vector<16xf32>
        %mul3A_363 = arith.mulf %get3A_360, %mul3A_362 : vector<16xf32>
        %swap3A_364 = arith.index_cast %scan3A_320 : i32 to index
        %swap3A_365 = arith.constant 48 : index
        %swap3A_366 = tpu.vector_load %arg7[%swap3A_364, %swap3A_365] {strides = array<i32>} : memref<512x64xf32, #tpu.memory_space<vmem>>, vector<1x16xf32>,
        %swap3A_367 = vector.shape_cast %swap3A_366 : vector<1x16xf32> to vector<16xf32>
        %swap3A_368 = vector.shape_cast %mul3A_363 : vector<16xf32> to vector<1x16xf32>
        tpu.vector_store %arg7[%swap3A_364, %swap3A_365], %swap3A_368 {strides = array<i32>} : memref<512x64xf32, #tpu.memory_space<vmem>>, vector<1x16xf32>,
      }
      %scan3A_122 = arith.constant 512 : i32
      "tpu.region"() ({
        %run_scoped3A = tpu.sem_alloc : memref<!tpu.dma_semaphore, #tpu.memory_space<semaphore_mem>>
        %dma_start3A_172 = arith.constant 0 : i32
        %dma_start3A_173 = tpu.memref_slice %arg4[%add3A_85, %dma_start3A_172] : memref<819200x64xf32, #tpu.memory_space<hbm>> -> memref<512x64xf32, #tpu.memory_space<hbm>>
        %dma_start3A_174 = arith.constant 0 : i32
        %dma_start3A_175 = tpu.memref_slice %arg4[%add3A_85, %dma_start3A_174] : memref<819200x64xf32, #tpu.memory_space<hbm>> -> memref<512x64xf32, #tpu.memory_space<hbm>>
        tpu.enqueue_dma source(%arg7 : memref<512x64xf32, #tpu.memory_space<vmem>>) target(%dma_start3A_175 : memref<512x64xf32, #tpu.memory_space<hbm>>) target_semaphore(%run_scoped3A : memref<!tpu.dma_semaphore, #tpu.memory_space<semaphore_mem>>)
        %dma_wait3A_176 = arith.constant 0 : i32
        %dma_wait3A_177 = tpu.memref_slice %arg4[%add3A_85, %dma_wait3A_176] : memref<819200x64xf32, #tpu.memory_space<hbm>> -> memref<512x64xf32, #tpu.memory_space<hbm>>
        %dma_wait3A_178 = arith.constant 0 : i32
        %dma_wait3A_179 = tpu.memref_slice %arg4[%add3A_85, %dma_wait3A_178] : memref<819200x64xf32, #tpu.memory_space<hbm>> -> memref<512x64xf32, #tpu.memory_space<hbm>>
        tpu.wait_dma2 semaphore(%run_scoped3A : memref<!tpu.dma_semaphore, #tpu.memory_space<semaphore_mem>>) src(%arg7 : memref<512x64xf32, #tpu.memory_space<vmem>>) dst(%dma_wait3A_179 : memref<512x64xf32, #tpu.memory_space<hbm>>)
        tpu.yield
      }) : () -> ()
      %add3A_123 = arith.constant 1 : i32
      %add3A_124 = arith.addi %scan3A_41, %add3A_123 : i32
      %lt3A = arith.constant 25 : i32
      %lt3A_125 = arith.cmpi slt, %add3A_124, %lt3A : i32
      %convert_element_type3A = arith.extui %lt3A_125 : i1 to i32
      %cond3A = arith.constant 0 : i32
      %cond3A_126 = arith.cmpi ne, %convert_element_type3A, %cond3A : i32
      scf.if %cond3A_126 {
        %mul3A_172 = arith.constant 2 : i32
        %mul3A_173 = arith.muli %mul3A_172, %scan3A_41 : i32
        %add3A_174 = arith.constant 2 : i32
        %add3A_175 = arith.addi %mul3A_173, %add3A_174 : i32
        %mul3A_176 = arith.constant 512 : i32
        %mul3A_177 = arith.muli %add3A_175, %mul3A_176 : i32
        %add3A_178 = arith.addi %mul3A_2, %mul3A_177 : i32
        "tpu.region"() ({
          %run_scoped3A = tpu.sem_alloc : memref<!tpu.dma_semaphore, #tpu.memory_space<semaphore_mem>>
          %dma_start3A_211 = tpu.memref_slice %arg2[%add3A_178] : memref<819200xi32, #tpu.memory_space<hbm>> -> memref<512xi32, #tpu.memory_space<hbm>>
          %dma_start3A_212 = tpu.memref_slice %arg2[%add3A_178] : memref<819200xi32, #tpu.memory_space<hbm>> -> memref<512xi32, #tpu.memory_space<hbm>>
          tpu.enqueue_dma source(%dma_start3A_212 : memref<512xi32, #tpu.memory_space<hbm>>) target(%arg5 : memref<512xi32, #tpu.memory_space<vmem>>) target_semaphore(%run_scoped3A : memref<!tpu.dma_semaphore, #tpu.memory_space<semaphore_mem>>)
          %dma_wait3A_213 = tpu.memref_slice %arg2[%add3A_178] : memref<819200xi32, #tpu.memory_space<hbm>> -> memref<512xi32, #tpu.memory_space<hbm>>
          %dma_wait3A_214 = tpu.memref_slice %arg2[%add3A_178] : memref<819200xi32, #tpu.memory_space<hbm>> -> memref<512xi32, #tpu.memory_space<hbm>>
          tpu.wait_dma2 semaphore(%run_scoped3A : memref<!tpu.dma_semaphore, #tpu.memory_space<semaphore_mem>>) src(%dma_wait3A_214 : memref<512xi32, #tpu.memory_space<hbm>>) dst(%arg5 : memref<512xi32, #tpu.memory_space<vmem>>)
          tpu.yield
        }) : () -> ()
        %dma_start3A_179 = arith.constant 0 : i32
        %dma_start3A_180 = arith.constant 0 : i32
        %dma_start3A_181 = tpu.memref_slice %arg7[%dma_start3A_179, %dma_start3A_180] : memref<512x64xf32, #tpu.memory_space<vmem>> -> memref<128x64xf32, #tpu.memory_space<vmem>>
        %dma_start3A_182 = arith.constant 0 : i32
        %dma_start3A_183 = tpu.memref_slice %arg5[%dma_start3A_182] : memref<512xi32, #tpu.memory_space<vmem>> -> memref<128xi32, #tpu.memory_space<vmem>>
        %dma_start3A_184 = arith.constant 0 : i32
        %dma_start3A_185 = arith.constant 0 : i32
        %dma_start3A_186 = tpu.memref_slice %arg3[%dma_start3A_184, %dma_start3A_185] : memref<1000000x64xf32, #tpu.memory_space<hbm>> -> memref<1000000x64xf32, #tpu.memory_space<hbm>>
        tpu.enqueue_indirect_dma source(%dma_start3A_186 : memref<1000000x64xf32, #tpu.memory_space<hbm>>) target(%dma_start3A_181 : memref<128x64xf32, #tpu.memory_space<vmem>>) offsets(%dma_start3A_183 : memref<128xi32, #tpu.memory_space<vmem>>) semaphore(%arg9 : memref<!tpu.dma_semaphore, #tpu.memory_space<semaphore_mem>>)
        %dma_start3A_187 = arith.constant 128 : i32
        %dma_start3A_188 = arith.constant 0 : i32
        %dma_start3A_189 = tpu.memref_slice %arg7[%dma_start3A_187, %dma_start3A_188] : memref<512x64xf32, #tpu.memory_space<vmem>> -> memref<128x64xf32, #tpu.memory_space<vmem>>
        %dma_start3A_190 = arith.constant 128 : i32
        %dma_start3A_191 = tpu.memref_slice %arg5[%dma_start3A_190] : memref<512xi32, #tpu.memory_space<vmem>> -> memref<128xi32, #tpu.memory_space<vmem>>
        %dma_start3A_192 = arith.constant 0 : i32
        %dma_start3A_193 = arith.constant 0 : i32
        %dma_start3A_194 = tpu.memref_slice %arg3[%dma_start3A_192, %dma_start3A_193] : memref<1000000x64xf32, #tpu.memory_space<hbm>> -> memref<1000000x64xf32, #tpu.memory_space<hbm>>
        tpu.enqueue_indirect_dma source(%dma_start3A_194 : memref<1000000x64xf32, #tpu.memory_space<hbm>>) target(%dma_start3A_189 : memref<128x64xf32, #tpu.memory_space<vmem>>) offsets(%dma_start3A_191 : memref<128xi32, #tpu.memory_space<vmem>>) semaphore(%arg9 : memref<!tpu.dma_semaphore, #tpu.memory_space<semaphore_mem>>)
        %dma_start3A_195 = arith.constant 256 : i32
        %dma_start3A_196 = arith.constant 0 : i32
        %dma_start3A_197 = tpu.memref_slice %arg7[%dma_start3A_195, %dma_start3A_196] : memref<512x64xf32, #tpu.memory_space<vmem>> -> memref<128x64xf32, #tpu.memory_space<vmem>>
        %dma_start3A_198 = arith.constant 256 : i32
        %dma_start3A_199 = tpu.memref_slice %arg5[%dma_start3A_198] : memref<512xi32, #tpu.memory_space<vmem>> -> memref<128xi32, #tpu.memory_space<vmem>>
        %dma_start3A_200 = arith.constant 0 : i32
        %dma_start3A_201 = arith.constant 0 : i32
        %dma_start3A_202 = tpu.memref_slice %arg3[%dma_start3A_200, %dma_start3A_201] : memref<1000000x64xf32, #tpu.memory_space<hbm>> -> memref<1000000x64xf32, #tpu.memory_space<hbm>>
        tpu.enqueue_indirect_dma source(%dma_start3A_202 : memref<1000000x64xf32, #tpu.memory_space<hbm>>) target(%dma_start3A_197 : memref<128x64xf32, #tpu.memory_space<vmem>>) offsets(%dma_start3A_199 : memref<128xi32, #tpu.memory_space<vmem>>) semaphore(%arg9 : memref<!tpu.dma_semaphore, #tpu.memory_space<semaphore_mem>>)
        %dma_start3A_203 = arith.constant 384 : i32
        %dma_start3A_204 = arith.constant 0 : i32
        %dma_start3A_205 = tpu.memref_slice %arg7[%dma_start3A_203, %dma_start3A_204] : memref<512x64xf32, #tpu.memory_space<vmem>> -> memref<128x64xf32, #tpu.memory_space<vmem>>
        %dma_start3A_206 = arith.constant 384 : i32
        %dma_start3A_207 = tpu.memref_slice %arg5[%dma_start3A_206] : memref<512xi32, #tpu.memory_space<vmem>> -> memref<128xi32, #tpu.memory_space<vmem>>
        %dma_start3A_208 = arith.constant 0 : i32
        %dma_start3A_209 = arith.constant 0 : i32
        %dma_start3A_210 = tpu.memref_slice %arg3[%dma_start3A_208, %dma_start3A_209] : memref<1000000x64xf32, #tpu.memory_space<hbm>> -> memref<1000000x64xf32, #tpu.memory_space<hbm>>
        tpu.enqueue_indirect_dma source(%dma_start3A_210 : memref<1000000x64xf32, #tpu.memory_space<hbm>>) target(%dma_start3A_205 : memref<128x64xf32, #tpu.memory_space<vmem>>) offsets(%dma_start3A_207 : memref<128xi32, #tpu.memory_space<vmem>>) semaphore(%arg9 : memref<!tpu.dma_semaphore, #tpu.memory_space<semaphore_mem>>)
      } else {
      }
      %mul3A_127 = arith.constant 2 : i32
      %mul3A_128 = arith.muli %mul3A_127, %scan3A_41 : i32
      %add3A_129 = arith.constant 1 : i32
      %add3A_130 = arith.addi %mul3A_128, %add3A_129 : i32
      %mul3A_131 = arith.constant 512 : i32
      %mul3A_132 = arith.muli %add3A_130, %mul3A_131 : i32
      %add3A_133 = arith.addi %mul3A_2, %mul3A_132 : i32
      %dma_wait3A_134 = arith.constant 0 : i32
      %dma_wait3A_135 = arith.constant 0 : i32
      %dma_wait3A_136 = tpu.memref_slice %arg8[%dma_wait3A_134, %dma_wait3A_135] : memref<512x64xf32, #tpu.memory_space<vmem>> -> memref<128x64xf32, #tpu.memory_space<vmem>>
      %dma_wait3A_137 = arith.constant 0 : i32
      %dma_wait3A_138 = tpu.memref_slice %arg6[%dma_wait3A_137] : memref<512xi32, #tpu.memory_space<vmem>> -> memref<128xi32, #tpu.memory_space<vmem>>
      %dma_wait3A_139 = arith.constant 0 : i32
      %dma_wait3A_140 = arith.constant 0 : i32
      %dma_wait3A_141 = tpu.memref_slice %arg3[%dma_wait3A_139, %dma_wait3A_140] : memref<1000000x64xf32, #tpu.memory_space<hbm>> -> memref<1000000x64xf32, #tpu.memory_space<hbm>>
      tpu.wait_indirect_dma semaphore(%arg10 : memref<!tpu.dma_semaphore, #tpu.memory_space<semaphore_mem>>) src(%dma_wait3A_141 : memref<1000000x64xf32, #tpu.memory_space<hbm>>) dst(%dma_wait3A_136 : memref<128x64xf32, #tpu.memory_space<vmem>>)
      %dma_wait3A_142 = arith.constant 128 : i32
      %dma_wait3A_143 = arith.constant 0 : i32
      %dma_wait3A_144 = tpu.memref_slice %arg8[%dma_wait3A_142, %dma_wait3A_143] : memref<512x64xf32, #tpu.memory_space<vmem>> -> memref<128x64xf32, #tpu.memory_space<vmem>>
      %dma_wait3A_145 = arith.constant 128 : i32
      %dma_wait3A_146 = tpu.memref_slice %arg6[%dma_wait3A_145] : memref<512xi32, #tpu.memory_space<vmem>> -> memref<128xi32, #tpu.memory_space<vmem>>
      %dma_wait3A_147 = arith.constant 0 : i32
      %dma_wait3A_148 = arith.constant 0 : i32
      %dma_wait3A_149 = tpu.memref_slice %arg3[%dma_wait3A_147, %dma_wait3A_148] : memref<1000000x64xf32, #tpu.memory_space<hbm>> -> memref<1000000x64xf32, #tpu.memory_space<hbm>>
      tpu.wait_indirect_dma semaphore(%arg10 : memref<!tpu.dma_semaphore, #tpu.memory_space<semaphore_mem>>) src(%dma_wait3A_149 : memref<1000000x64xf32, #tpu.memory_space<hbm>>) dst(%dma_wait3A_144 : memref<128x64xf32, #tpu.memory_space<vmem>>)
      %dma_wait3A_150 = arith.constant 256 : i32
      %dma_wait3A_151 = arith.constant 0 : i32
      %dma_wait3A_152 = tpu.memref_slice %arg8[%dma_wait3A_150, %dma_wait3A_151] : memref<512x64xf32, #tpu.memory_space<vmem>> -> memref<128x64xf32, #tpu.memory_space<vmem>>
      %dma_wait3A_153 = arith.constant 256 : i32
      %dma_wait3A_154 = tpu.memref_slice %arg6[%dma_wait3A_153] : memref<512xi32, #tpu.memory_space<vmem>> -> memref<128xi32, #tpu.memory_space<vmem>>
      %dma_wait3A_155 = arith.constant 0 : i32
      %dma_wait3A_156 = arith.constant 0 : i32
      %dma_wait3A_157 = tpu.memref_slice %arg3[%dma_wait3A_155, %dma_wait3A_156] : memref<1000000x64xf32, #tpu.memory_space<hbm>> -> memref<1000000x64xf32, #tpu.memory_space<hbm>>
      tpu.wait_indirect_dma semaphore(%arg10 : memref<!tpu.dma_semaphore, #tpu.memory_space<semaphore_mem>>) src(%dma_wait3A_157 : memref<1000000x64xf32, #tpu.memory_space<hbm>>) dst(%dma_wait3A_152 : memref<128x64xf32, #tpu.memory_space<vmem>>)
      %dma_wait3A_158 = arith.constant 384 : i32
      %dma_wait3A_159 = arith.constant 0 : i32
      %dma_wait3A_160 = tpu.memref_slice %arg8[%dma_wait3A_158, %dma_wait3A_159] : memref<512x64xf32, #tpu.memory_space<vmem>> -> memref<128x64xf32, #tpu.memory_space<vmem>>
      %dma_wait3A_161 = arith.constant 384 : i32
      %dma_wait3A_162 = tpu.memref_slice %arg6[%dma_wait3A_161] : memref<512xi32, #tpu.memory_space<vmem>> -> memref<128xi32, #tpu.memory_space<vmem>>
      %dma_wait3A_163 = arith.constant 0 : i32
      %dma_wait3A_164 = arith.constant 0 : i32
      %dma_wait3A_165 = tpu.memref_slice %arg3[%dma_wait3A_163, %dma_wait3A_164] : memref<1000000x64xf32, #tpu.memory_space<hbm>> -> memref<1000000x64xf32, #tpu.memory_space<hbm>>
      tpu.wait_indirect_dma semaphore(%arg10 : memref<!tpu.dma_semaphore, #tpu.memory_space<semaphore_mem>>) src(%dma_wait3A_165 : memref<1000000x64xf32, #tpu.memory_space<hbm>>) dst(%dma_wait3A_160 : memref<128x64xf32, #tpu.memory_space<vmem>>)
      %scan3A_166 = arith.constant 0 : i32
      %scan3A_167 = arith.constant 0 : i32
      %scan3A_168 = arith.constant 512 : i32
      %scan3A_169 = arith.addi %scan3A_167, %scan3A_168 : i32
      %scan3A_170 = arith.constant 4 : i32
      scf.for %scan3A_172 = %scan3A_167 to %scan3A_169 step %scan3A_170  : i32 {
        %get3A = arith.index_cast %scan3A_172 : i32 to index
        %get3A_173 = arith.constant 0 : index
        %get3A_174 = tpu.vector_load %arg8[%get3A, %get3A_173] {strides = array<i32>} : memref<512x64xf32, #tpu.memory_space<vmem>>, vector<1x16xf32>,
        %get3A_175 = vector.shape_cast %get3A_174 : vector<1x16xf32> to vector<16xf32>
        %mul3A_176 = arith.constant 8.000000e+00 : f32
        %mul3A_177 = vector.broadcast %mul3A_176 : f32 to vector<16xf32>
        %mul3A_178 = arith.mulf %get3A_175, %mul3A_177 : vector<16xf32>
        %swap3A = arith.index_cast %scan3A_172 : i32 to index
        %swap3A_179 = arith.constant 0 : index
        %swap3A_180 = tpu.vector_load %arg8[%swap3A, %swap3A_179] {strides = array<i32>} : memref<512x64xf32, #tpu.memory_space<vmem>>, vector<1x16xf32>,
        %swap3A_181 = vector.shape_cast %swap3A_180 : vector<1x16xf32> to vector<16xf32>
        %swap3A_182 = vector.shape_cast %mul3A_178 : vector<16xf32> to vector<1x16xf32>
        tpu.vector_store %arg8[%swap3A, %swap3A_179], %swap3A_182 {strides = array<i32>} : memref<512x64xf32, #tpu.memory_space<vmem>>, vector<1x16xf32>,
        %get3A_183 = arith.index_cast %scan3A_172 : i32 to index
        %get3A_184 = arith.constant 16 : index
        %get3A_185 = tpu.vector_load %arg8[%get3A_183, %get3A_184] {strides = array<i32>} : memref<512x64xf32, #tpu.memory_space<vmem>>, vector<1x16xf32>,
        %get3A_186 = vector.shape_cast %get3A_185 : vector<1x16xf32> to vector<16xf32>
        %mul3A_187 = arith.constant 8.000000e+00 : f32
        %mul3A_188 = vector.broadcast %mul3A_187 : f32 to vector<16xf32>
        %mul3A_189 = arith.mulf %get3A_186, %mul3A_188 : vector<16xf32>
        %swap3A_190 = arith.index_cast %scan3A_172 : i32 to index
        %swap3A_191 = arith.constant 16 : index
        %swap3A_192 = tpu.vector_load %arg8[%swap3A_190, %swap3A_191] {strides = array<i32>} : memref<512x64xf32, #tpu.memory_space<vmem>>, vector<1x16xf32>,
        %swap3A_193 = vector.shape_cast %swap3A_192 : vector<1x16xf32> to vector<16xf32>
        %swap3A_194 = vector.shape_cast %mul3A_189 : vector<16xf32> to vector<1x16xf32>
        tpu.vector_store %arg8[%swap3A_190, %swap3A_191], %swap3A_194 {strides = array<i32>} : memref<512x64xf32, #tpu.memory_space<vmem>>, vector<1x16xf32>,
        %get3A_195 = arith.index_cast %scan3A_172 : i32 to index
        %get3A_196 = arith.constant 32 : index
        %get3A_197 = tpu.vector_load %arg8[%get3A_195, %get3A_196] {strides = array<i32>} : memref<512x64xf32, #tpu.memory_space<vmem>>, vector<1x16xf32>,
        %get3A_198 = vector.shape_cast %get3A_197 : vector<1x16xf32> to vector<16xf32>
        %mul3A_199 = arith.constant 8.000000e+00 : f32
        %mul3A_200 = vector.broadcast %mul3A_199 : f32 to vector<16xf32>
        %mul3A_201 = arith.mulf %get3A_198, %mul3A_200 : vector<16xf32>
        %swap3A_202 = arith.index_cast %scan3A_172 : i32 to index
        %swap3A_203 = arith.constant 32 : index
        %swap3A_204 = tpu.vector_load %arg8[%swap3A_202, %swap3A_203] {strides = array<i32>} : memref<512x64xf32, #tpu.memory_space<vmem>>, vector<1x16xf32>,
        %swap3A_205 = vector.shape_cast %swap3A_204 : vector<1x16xf32> to vector<16xf32>
        %swap3A_206 = vector.shape_cast %mul3A_201 : vector<16xf32> to vector<1x16xf32>
        tpu.vector_store %arg8[%swap3A_202, %swap3A_203], %swap3A_206 {strides = array<i32>} : memref<512x64xf32, #tpu.memory_space<vmem>>, vector<1x16xf32>,
        %get3A_207 = arith.index_cast %scan3A_172 : i32 to index
        %get3A_208 = arith.constant 48 : index
        %get3A_209 = tpu.vector_load %arg8[%get3A_207, %get3A_208] {strides = array<i32>} : memref<512x64xf32, #tpu.memory_space<vmem>>, vector<1x16xf32>,
        %get3A_210 = vector.shape_cast %get3A_209 : vector<1x16xf32> to vector<16xf32>
        %mul3A_211 = arith.constant 8.000000e+00 : f32
        %mul3A_212 = vector.broadcast %mul3A_211 : f32 to vector<16xf32>
        %mul3A_213 = arith.mulf %get3A_210, %mul3A_212 : vector<16xf32>
        %swap3A_214 = arith.index_cast %scan3A_172 : i32 to index
        %swap3A_215 = arith.constant 48 : index
        %swap3A_216 = tpu.vector_load %arg8[%swap3A_214, %swap3A_215] {strides = array<i32>} : memref<512x64xf32, #tpu.memory_space<vmem>>, vector<1x16xf32>,
        %swap3A_217 = vector.shape_cast %swap3A_216 : vector<1x16xf32> to vector<16xf32>
        %swap3A_218 = vector.shape_cast %mul3A_213 : vector<16xf32> to vector<1x16xf32>
        tpu.vector_store %arg8[%swap3A_214, %swap3A_215], %swap3A_218 {strides = array<i32>} : memref<512x64xf32, #tpu.memory_space<vmem>>, vector<1x16xf32>,
        %scan3A_219 = arith.constant 1 : i32
        %scan3A_220 = arith.addi %scan3A_172, %scan3A_219 : i32
        %get3A_221 = arith.index_cast %scan3A_220 : i32 to index
        %get3A_222 = arith.constant 0 : index
        %get3A_223 = tpu.vector_load %arg8[%get3A_221, %get3A_222] {strides = array<i32>} : memref<512x64xf32, #tpu.memory_space<vmem>>, vector<1x16xf32>,
        %get3A_224 = vector.shape_cast %get3A_223 : vector<1x16xf32> to vector<16xf32>
        %mul3A_225 = arith.constant 8.000000e+00 : f32
        %mul3A_226 = vector.broadcast %mul3A_225 : f32 to vector<16xf32>
        %mul3A_227 = arith.mulf %get3A_224, %mul3A_226 : vector<16xf32>
        %swap3A_228 = arith.index_cast %scan3A_220 : i32 to index
        %swap3A_229 = arith.constant 0 : index
        %swap3A_230 = tpu.vector_load %arg8[%swap3A_228, %swap3A_229] {strides = array<i32>} : memref<512x64xf32, #tpu.memory_space<vmem>>, vector<1x16xf32>,
        %swap3A_231 = vector.shape_cast %swap3A_230 : vector<1x16xf32> to vector<16xf32>
        %swap3A_232 = vector.shape_cast %mul3A_227 : vector<16xf32> to vector<1x16xf32>
        tpu.vector_store %arg8[%swap3A_228, %swap3A_229], %swap3A_232 {strides = array<i32>} : memref<512x64xf32, #tpu.memory_space<vmem>>, vector<1x16xf32>,
        %get3A_233 = arith.index_cast %scan3A_220 : i32 to index
        %get3A_234 = arith.constant 16 : index
        %get3A_235 = tpu.vector_load %arg8[%get3A_233, %get3A_234] {strides = array<i32>} : memref<512x64xf32, #tpu.memory_space<vmem>>, vector<1x16xf32>,
        %get3A_236 = vector.shape_cast %get3A_235 : vector<1x16xf32> to vector<16xf32>
        %mul3A_237 = arith.constant 8.000000e+00 : f32
        %mul3A_238 = vector.broadcast %mul3A_237 : f32 to vector<16xf32>
        %mul3A_239 = arith.mulf %get3A_236, %mul3A_238 : vector<16xf32>
        %swap3A_240 = arith.index_cast %scan3A_220 : i32 to index
        %swap3A_241 = arith.constant 16 : index
        %swap3A_242 = tpu.vector_load %arg8[%swap3A_240, %swap3A_241] {strides = array<i32>} : memref<512x64xf32, #tpu.memory_space<vmem>>, vector<1x16xf32>,
        %swap3A_243 = vector.shape_cast %swap3A_242 : vector<1x16xf32> to vector<16xf32>
        %swap3A_244 = vector.shape_cast %mul3A_239 : vector<16xf32> to vector<1x16xf32>
        tpu.vector_store %arg8[%swap3A_240, %swap3A_241], %swap3A_244 {strides = array<i32>} : memref<512x64xf32, #tpu.memory_space<vmem>>, vector<1x16xf32>,
        %get3A_245 = arith.index_cast %scan3A_220 : i32 to index
        %get3A_246 = arith.constant 32 : index
        %get3A_247 = tpu.vector_load %arg8[%get3A_245, %get3A_246] {strides = array<i32>} : memref<512x64xf32, #tpu.memory_space<vmem>>, vector<1x16xf32>,
        %get3A_248 = vector.shape_cast %get3A_247 : vector<1x16xf32> to vector<16xf32>
        %mul3A_249 = arith.constant 8.000000e+00 : f32
        %mul3A_250 = vector.broadcast %mul3A_249 : f32 to vector<16xf32>
        %mul3A_251 = arith.mulf %get3A_248, %mul3A_250 : vector<16xf32>
        %swap3A_252 = arith.index_cast %scan3A_220 : i32 to index
        %swap3A_253 = arith.constant 32 : index
        %swap3A_254 = tpu.vector_load %arg8[%swap3A_252, %swap3A_253] {strides = array<i32>} : memref<512x64xf32, #tpu.memory_space<vmem>>, vector<1x16xf32>,
        %swap3A_255 = vector.shape_cast %swap3A_254 : vector<1x16xf32> to vector<16xf32>
        %swap3A_256 = vector.shape_cast %mul3A_251 : vector<16xf32> to vector<1x16xf32>
        tpu.vector_store %arg8[%swap3A_252, %swap3A_253], %swap3A_256 {strides = array<i32>} : memref<512x64xf32, #tpu.memory_space<vmem>>, vector<1x16xf32>,
        %get3A_257 = arith.index_cast %scan3A_220 : i32 to index
        %get3A_258 = arith.constant 48 : index
        %get3A_259 = tpu.vector_load %arg8[%get3A_257, %get3A_258] {strides = array<i32>} : memref<512x64xf32, #tpu.memory_space<vmem>>, vector<1x16xf32>,
        %get3A_260 = vector.shape_cast %get3A_259 : vector<1x16xf32> to vector<16xf32>
        %mul3A_261 = arith.constant 8.000000e+00 : f32
        %mul3A_262 = vector.broadcast %mul3A_261 : f32 to vector<16xf32>
        %mul3A_263 = arith.mulf %get3A_260, %mul3A_262 : vector<16xf32>
        %swap3A_264 = arith.index_cast %scan3A_220 : i32 to index
        %swap3A_265 = arith.constant 48 : index
        %swap3A_266 = tpu.vector_load %arg8[%swap3A_264, %swap3A_265] {strides = array<i32>} : memref<512x64xf32, #tpu.memory_space<vmem>>, vector<1x16xf32>,
        %swap3A_267 = vector.shape_cast %swap3A_266 : vector<1x16xf32> to vector<16xf32>
        %swap3A_268 = vector.shape_cast %mul3A_263 : vector<16xf32> to vector<1x16xf32>
        tpu.vector_store %arg8[%swap3A_264, %swap3A_265], %swap3A_268 {strides = array<i32>} : memref<512x64xf32, #tpu.memory_space<vmem>>, vector<1x16xf32>,
        %scan3A_269 = arith.constant 2 : i32
        %scan3A_270 = arith.addi %scan3A_172, %scan3A_269 : i32
        %get3A_271 = arith.index_cast %scan3A_270 : i32 to index
        %get3A_272 = arith.constant 0 : index
        %get3A_273 = tpu.vector_load %arg8[%get3A_271, %get3A_272] {strides = array<i32>} : memref<512x64xf32, #tpu.memory_space<vmem>>, vector<1x16xf32>,
        %get3A_274 = vector.shape_cast %get3A_273 : vector<1x16xf32> to vector<16xf32>
        %mul3A_275 = arith.constant 8.000000e+00 : f32
        %mul3A_276 = vector.broadcast %mul3A_275 : f32 to vector<16xf32>
        %mul3A_277 = arith.mulf %get3A_274, %mul3A_276 : vector<16xf32>
        %swap3A_278 = arith.index_cast %scan3A_270 : i32 to index
        %swap3A_279 = arith.constant 0 : index
        %swap3A_280 = tpu.vector_load %arg8[%swap3A_278, %swap3A_279] {strides = array<i32>} : memref<512x64xf32, #tpu.memory_space<vmem>>, vector<1x16xf32>,
        %swap3A_281 = vector.shape_cast %swap3A_280 : vector<1x16xf32> to vector<16xf32>
        %swap3A_282 = vector.shape_cast %mul3A_277 : vector<16xf32> to vector<1x16xf32>
        tpu.vector_store %arg8[%swap3A_278, %swap3A_279], %swap3A_282 {strides = array<i32>} : memref<512x64xf32, #tpu.memory_space<vmem>>, vector<1x16xf32>,
        %get3A_283 = arith.index_cast %scan3A_270 : i32 to index
        %get3A_284 = arith.constant 16 : index
        %get3A_285 = tpu.vector_load %arg8[%get3A_283, %get3A_284] {strides = array<i32>} : memref<512x64xf32, #tpu.memory_space<vmem>>, vector<1x16xf32>,
        %get3A_286 = vector.shape_cast %get3A_285 : vector<1x16xf32> to vector<16xf32>
        %mul3A_287 = arith.constant 8.000000e+00 : f32
        %mul3A_288 = vector.broadcast %mul3A_287 : f32 to vector<16xf32>
        %mul3A_289 = arith.mulf %get3A_286, %mul3A_288 : vector<16xf32>
        %swap3A_290 = arith.index_cast %scan3A_270 : i32 to index
        %swap3A_291 = arith.constant 16 : index
        %swap3A_292 = tpu.vector_load %arg8[%swap3A_290, %swap3A_291] {strides = array<i32>} : memref<512x64xf32, #tpu.memory_space<vmem>>, vector<1x16xf32>,
        %swap3A_293 = vector.shape_cast %swap3A_292 : vector<1x16xf32> to vector<16xf32>
        %swap3A_294 = vector.shape_cast %mul3A_289 : vector<16xf32> to vector<1x16xf32>
        tpu.vector_store %arg8[%swap3A_290, %swap3A_291], %swap3A_294 {strides = array<i32>} : memref<512x64xf32, #tpu.memory_space<vmem>>, vector<1x16xf32>,
        %get3A_295 = arith.index_cast %scan3A_270 : i32 to index
        %get3A_296 = arith.constant 32 : index
        %get3A_297 = tpu.vector_load %arg8[%get3A_295, %get3A_296] {strides = array<i32>} : memref<512x64xf32, #tpu.memory_space<vmem>>, vector<1x16xf32>,
        %get3A_298 = vector.shape_cast %get3A_297 : vector<1x16xf32> to vector<16xf32>
        %mul3A_299 = arith.constant 8.000000e+00 : f32
        %mul3A_300 = vector.broadcast %mul3A_299 : f32 to vector<16xf32>
        %mul3A_301 = arith.mulf %get3A_298, %mul3A_300 : vector<16xf32>
        %swap3A_302 = arith.index_cast %scan3A_270 : i32 to index
        %swap3A_303 = arith.constant 32 : index
        %swap3A_304 = tpu.vector_load %arg8[%swap3A_302, %swap3A_303] {strides = array<i32>} : memref<512x64xf32, #tpu.memory_space<vmem>>, vector<1x16xf32>,
        %swap3A_305 = vector.shape_cast %swap3A_304 : vector<1x16xf32> to vector<16xf32>
        %swap3A_306 = vector.shape_cast %mul3A_301 : vector<16xf32> to vector<1x16xf32>
        tpu.vector_store %arg8[%swap3A_302, %swap3A_303], %swap3A_306 {strides = array<i32>} : memref<512x64xf32, #tpu.memory_space<vmem>>, vector<1x16xf32>,
        %get3A_307 = arith.index_cast %scan3A_270 : i32 to index
        %get3A_308 = arith.constant 48 : index
        %get3A_309 = tpu.vector_load %arg8[%get3A_307, %get3A_308] {strides = array<i32>} : memref<512x64xf32, #tpu.memory_space<vmem>>, vector<1x16xf32>,
        %get3A_310 = vector.shape_cast %get3A_309 : vector<1x16xf32> to vector<16xf32>
        %mul3A_311 = arith.constant 8.000000e+00 : f32
        %mul3A_312 = vector.broadcast %mul3A_311 : f32 to vector<16xf32>
        %mul3A_313 = arith.mulf %get3A_310, %mul3A_312 : vector<16xf32>
        %swap3A_314 = arith.index_cast %scan3A_270 : i32 to index
        %swap3A_315 = arith.constant 48 : index
        %swap3A_316 = tpu.vector_load %arg8[%swap3A_314, %swap3A_315] {strides = array<i32>} : memref<512x64xf32, #tpu.memory_space<vmem>>, vector<1x16xf32>,
        %swap3A_317 = vector.shape_cast %swap3A_316 : vector<1x16xf32> to vector<16xf32>
        %swap3A_318 = vector.shape_cast %mul3A_313 : vector<16xf32> to vector<1x16xf32>
        tpu.vector_store %arg8[%swap3A_314, %swap3A_315], %swap3A_318 {strides = array<i32>} : memref<512x64xf32, #tpu.memory_space<vmem>>, vector<1x16xf32>,
        %scan3A_319 = arith.constant 3 : i32
        %scan3A_320 = arith.addi %scan3A_172, %scan3A_319 : i32
        %get3A_321 = arith.index_cast %scan3A_320 : i32 to index
        %get3A_322 = arith.constant 0 : index
        %get3A_323 = tpu.vector_load %arg8[%get3A_321, %get3A_322] {strides = array<i32>} : memref<512x64xf32, #tpu.memory_space<vmem>>, vector<1x16xf32>,
        %get3A_324 = vector.shape_cast %get3A_323 : vector<1x16xf32> to vector<16xf32>
        %mul3A_325 = arith.constant 8.000000e+00 : f32
        %mul3A_326 = vector.broadcast %mul3A_325 : f32 to vector<16xf32>
        %mul3A_327 = arith.mulf %get3A_324, %mul3A_326 : vector<16xf32>
        %swap3A_328 = arith.index_cast %scan3A_320 : i32 to index
        %swap3A_329 = arith.constant 0 : index
        %swap3A_330 = tpu.vector_load %arg8[%swap3A_328, %swap3A_329] {strides = array<i32>} : memref<512x64xf32, #tpu.memory_space<vmem>>, vector<1x16xf32>,
        %swap3A_331 = vector.shape_cast %swap3A_330 : vector<1x16xf32> to vector<16xf32>
        %swap3A_332 = vector.shape_cast %mul3A_327 : vector<16xf32> to vector<1x16xf32>
        tpu.vector_store %arg8[%swap3A_328, %swap3A_329], %swap3A_332 {strides = array<i32>} : memref<512x64xf32, #tpu.memory_space<vmem>>, vector<1x16xf32>,
        %get3A_333 = arith.index_cast %scan3A_320 : i32 to index
        %get3A_334 = arith.constant 16 : index
        %get3A_335 = tpu.vector_load %arg8[%get3A_333, %get3A_334] {strides = array<i32>} : memref<512x64xf32, #tpu.memory_space<vmem>>, vector<1x16xf32>,
        %get3A_336 = vector.shape_cast %get3A_335 : vector<1x16xf32> to vector<16xf32>
        %mul3A_337 = arith.constant 8.000000e+00 : f32
        %mul3A_338 = vector.broadcast %mul3A_337 : f32 to vector<16xf32>
        %mul3A_339 = arith.mulf %get3A_336, %mul3A_338 : vector<16xf32>
        %swap3A_340 = arith.index_cast %scan3A_320 : i32 to index
        %swap3A_341 = arith.constant 16 : index
        %swap3A_342 = tpu.vector_load %arg8[%swap3A_340, %swap3A_341] {strides = array<i32>} : memref<512x64xf32, #tpu.memory_space<vmem>>, vector<1x16xf32>,
        %swap3A_343 = vector.shape_cast %swap3A_342 : vector<1x16xf32> to vector<16xf32>
        %swap3A_344 = vector.shape_cast %mul3A_339 : vector<16xf32> to vector<1x16xf32>
        tpu.vector_store %arg8[%swap3A_340, %swap3A_341], %swap3A_344 {strides = array<i32>} : memref<512x64xf32, #tpu.memory_space<vmem>>, vector<1x16xf32>,
        %get3A_345 = arith.index_cast %scan3A_320 : i32 to index
        %get3A_346 = arith.constant 32 : index
        %get3A_347 = tpu.vector_load %arg8[%get3A_345, %get3A_346] {strides = array<i32>} : memref<512x64xf32, #tpu.memory_space<vmem>>, vector<1x16xf32>,
        %get3A_348 = vector.shape_cast %get3A_347 : vector<1x16xf32> to vector<16xf32>
        %mul3A_349 = arith.constant 8.000000e+00 : f32
        %mul3A_350 = vector.broadcast %mul3A_349 : f32 to vector<16xf32>
        %mul3A_351 = arith.mulf %get3A_348, %mul3A_350 : vector<16xf32>
        %swap3A_352 = arith.index_cast %scan3A_320 : i32 to index
        %swap3A_353 = arith.constant 32 : index
        %swap3A_354 = tpu.vector_load %arg8[%swap3A_352, %swap3A_353] {strides = array<i32>} : memref<512x64xf32, #tpu.memory_space<vmem>>, vector<1x16xf32>,
        %swap3A_355 = vector.shape_cast %swap3A_354 : vector<1x16xf32> to vector<16xf32>
        %swap3A_356 = vector.shape_cast %mul3A_351 : vector<16xf32> to vector<1x16xf32>
        tpu.vector_store %arg8[%swap3A_352, %swap3A_353], %swap3A_356 {strides = array<i32>} : memref<512x64xf32, #tpu.memory_space<vmem>>, vector<1x16xf32>,
        %get3A_357 = arith.index_cast %scan3A_320 : i32 to index
        %get3A_358 = arith.constant 48 : index
        %get3A_359 = tpu.vector_load %arg8[%get3A_357, %get3A_358] {strides = array<i32>} : memref<512x64xf32, #tpu.memory_space<vmem>>, vector<1x16xf32>,
        %get3A_360 = vector.shape_cast %get3A_359 : vector<1x16xf32> to vector<16xf32>
        %mul3A_361 = arith.constant 8.000000e+00 : f32
        %mul3A_362 = vector.broadcast %mul3A_361 : f32 to vector<16xf32>
        %mul3A_363 = arith.mulf %get3A_360, %mul3A_362 : vector<16xf32>
        %swap3A_364 = arith.index_cast %scan3A_320 : i32 to index
        %swap3A_365 = arith.constant 48 : index
        %swap3A_366 = tpu.vector_load %arg8[%swap3A_364, %swap3A_365] {strides = array<i32>} : memref<512x64xf32, #tpu.memory_space<vmem>>, vector<1x16xf32>,
        %swap3A_367 = vector.shape_cast %swap3A_366 : vector<1x16xf32> to vector<16xf32>
        %swap3A_368 = vector.shape_cast %mul3A_363 : vector<16xf32> to vector<1x16xf32>
        tpu.vector_store %arg8[%swap3A_364, %swap3A_365], %swap3A_368 {strides = array<i32>} : memref<512x64xf32, #tpu.memory_space<vmem>>, vector<1x16xf32>,
      }
      %scan3A_171 = arith.constant 512 : i32
      "tpu.region"() ({
        %run_scoped3A = tpu.sem_alloc : memref<!tpu.dma_semaphore, #tpu.memory_space<semaphore_mem>>
        %dma_start3A_172 = arith.constant 0 : i32
        %dma_start3A_173 = tpu.memref_slice %arg4[%add3A_133, %dma_start3A_172] : memref<819200x64xf32, #tpu.memory_space<hbm>> -> memref<512x64xf32, #tpu.memory_space<hbm>>
        %dma_start3A_174 = arith.constant 0 : i32
        %dma_start3A_175 = tpu.memref_slice %arg4[%add3A_133, %dma_start3A_174] : memref<819200x64xf32, #tpu.memory_space<hbm>> -> memref<512x64xf32, #tpu.memory_space<hbm>>
        tpu.enqueue_dma source(%arg8 : memref<512x64xf32, #tpu.memory_space<vmem>>) target(%dma_start3A_175 : memref<512x64xf32, #tpu.memory_space<hbm>>) target_semaphore(%run_scoped3A : memref<!tpu.dma_semaphore, #tpu.memory_space<semaphore_mem>>)
        %dma_wait3A_176 = arith.constant 0 : i32
        %dma_wait3A_177 = tpu.memref_slice %arg4[%add3A_133, %dma_wait3A_176] : memref<819200x64xf32, #tpu.memory_space<hbm>> -> memref<512x64xf32, #tpu.memory_space<hbm>>
        %dma_wait3A_178 = arith.constant 0 : i32
        %dma_wait3A_179 = tpu.memref_slice %arg4[%add3A_133, %dma_wait3A_178] : memref<819200x64xf32, #tpu.memory_space<hbm>> -> memref<512x64xf32, #tpu.memory_space<hbm>>
        tpu.wait_dma2 semaphore(%run_scoped3A : memref<!tpu.dma_semaphore, #tpu.memory_space<semaphore_mem>>) src(%arg8 : memref<512x64xf32, #tpu.memory_space<vmem>>) dst(%dma_wait3A_179 : memref<512x64xf32, #tpu.memory_space<hbm>>)
        tpu.yield
      }) : () -> ()
    }
    %scan3A_40 = arith.constant 25 : i32
    return
  }
}

</mosaic_0001>

<sc_bundles>
// kernel: kernel.3.cloned.1.call-start
scs
__scs_entry_jumppad:
0x0: {  	(pc) =	sbr.rel $0x88, $3  }
0x1: {  	(tag) =	ssettag $0x0;
	lr =	simm.s32 $0x1  }
0x2: {  	[smem:$0x3F9F] =	sst lr;
	_ =	strace $0xD0000000  }
0x3: {  	_ = 	snop  }
0x4: {  	_ = 	snop  }
0x5: {  	_ = 	snop  }
0x6: {  	_ = 	snop  }
0x7: {  	_ = 	snop  }
__scs_overlays_trampoline_lowered:
0x8: {  	[smem:$0x3FAE] =	sst s0  }
0x9: {  	[smem:$0x3FAF] =	sst s1  }
0xa: {  	[smem:$0x3FB0] =	sst s2  }
0xb: {  	[smem:$0x3FB1] =	sst s3  }
0xc: {  	[smem:$0x3FB2] =	sst s4  }
0xd: {  	[smem:$0x3FB3] =	sst s5  }
0xe: {  	[smem:$0x3FB4] =	sst s6  }
0xf: {  	[smem:$0x3FB5] =	sst s7  }
0x10: {  	[smem:$0x3FB6] =	sst s8  }
0x11: {  	[smem:$0x3FB7] =	sst s9;
	s0 =	simm.s32 @!p0 $0x0  }
0x12: {  	s1 =	sld [smem:$0x3F9D];
	s0 =	simm.s32 @p0 $0x1  }
0x13: {  	[smem:$0x3FB8] =	sst s0;
	s0 =	simm.s32 @!p1 $0x0  }
0x14: {  	s2 =	sld [smem:$0x3F9C];
	s0 =	simm.s32 @p1 $0x1  }
0x15: {  	[smem:$0x3FB9] =	sst s0;
	s0 =	simm.s32 @!p2 $0x0  }
0x16: {  	s3 =	sld [smem:$0x3FDB];
	s0 =	simm.s32 @p2 $0x1  }
0x17: {  	s4 =	simm.s32 $0x1BF5;
	[smem:$0x3FBB] =	sst s0  }
0x18: {  	s0 =	sld [smem:$0x3F9E];
	_ =	swait.ge [sflag:s4], $0x0  }
0x19: {  	s7 =	sld [smem:$0x3F9F]  }
0x1a: {  	s8 =	sadd.s32 $0xFFFFE003, lr  }
0x1b: {  	s9 =	sadd.s32 $0xFFFFFEF7, lr;
	s5 =	simm.s32 $0xFFFFFFFF;
	p2 =	slt.u32 s8, $0xFFFFF086  }
0x1c: {  	p1 =	slt.u32 s9, $0xF7A;
	s5 =	simm.s32 @!p2 $0x0  }
0x1d: {  	s5 =	simm.s32 @p1 $0x1;
	p0 =	seq.s32 s7, s2  }
0x1e: {  	s7 =	smul.u32 @!p0 $0xF7A, s2;
	p2 =	seq.s32 @!p0 s5, $0x0  }
0x1f: {  	s9 =	smul.u32 $0xF7A, s1;
	s8 =	simm.s32 @!p0 $0x1BF5;
	p2 =	por !p2, p0  }
0x20: {  	[sflag:s8] =	ssyncset.s32 @!p0 $0xFFFFF086;
	s6 =	sadd.s32 @!p0 s3, s7;
	s7 =	simm.s32 @!p0 $0x108  }
0x21: {  	s3 =	sadd.s32 s3, s9;
	s6 =	sadd.s32 @!p0 $0x88, s6;
	s7 =	simm.s32 @p2 $0x1082  }
0x22: {  	[simem:s7], [sflag:s8] =	dma.local @!p0 [hbm:s6], $0xF7A  }
0x23: {  	s9 =	sor.u32 $0xD0000000, s2;
	s6 =	simm.s32 $0x108;
	_ =	swait.ge @!p0 [sflag:s8], $0x0  }
0x24: {  	s3 =	sadd.s32 $0x88, s3;
	s6 =	simm.s32 @!p1 $0x1082;
	[sflag:s4] =	ssyncset.s32 $0xFFFFF086  }
0x25: {  	[simem:s6], [sflag:s4] =	dma.local [hbm:s3], $0xF7A  }
0x26: {  	[smem:$0x3F9F] =	sst s1;
	(tag) =	ssettag s2;
	_ =	strace s9  }
0x27: {  	s1 =	sld [smem:$0x3FAF]  }
0x28: {  	s2 =	sld [smem:$0x3FB0]  }
0x29: {  	s4 =	sld [smem:$0x3FB2]  }
0x2a: {  	p0 =	seq.s32 s5, $0x0;
	s5 =	sld [smem:$0x3FB3]  }
0x2b: {  	s6 =	sld [smem:$0x3FB4]  }
0x2c: {  	s7 =	sld [smem:$0x3FB5]  }
0x2d: {  	s3 =	simm.s32 $0x108;
	s8 =	sld [smem:$0x3FB6]  }
0x2e: {  	s3 =	simm.s32 @!p0 $0x1082;
	s9 =	sld [smem:$0x3FB7]  }
0x2f: {  	lr =	sadd.s32 s0, s3;
	s0 =	sld [smem:$0x3FAE]  }
0x30: {  	s3 =	sld [smem:$0x3FB1]  }
0x31: {  	[smem:$0x3FBA] =	sst s10  }
0x32: {  	s10 =	sld [smem:$0x3FB8];
	_ =	sdelay $0x3  }
0x33: {  	p0 =	seq.s32 s10, $0x1;
	s10 =	sld [smem:$0x3FBA];
	_ =	sdelay $0x3  }
0x34: {  	[smem:$0x3FBA] =	sst s10  }
0x35: {  	s10 =	sld [smem:$0x3FB9];
	_ =	sdelay $0x3  }
0x36: {  	p1 =	seq.s32 s10, $0x1;
	s10 =	sld [smem:$0x3FBA];
	_ =	sdelay $0x3  }
0x37: {  	[smem:$0x3FBA] =	sst s10  }
0x38: {  	s10 =	sld [smem:$0x3FBB]  }
0x39: {  	_ = 	snop;
	(pc) =	sbr.ind lr, $3  }
0x3a: {  	_ = 	snop  }
0x3b: {  	_ = 	snop  }
0x3c: {  	p2 =	seq.s32 s10, $0x1;
	s10 =	sld [smem:$0x3FBA]  }
0x3d: {  	_ =	shalt  }
0x3e: {  	_ =	shalt  }
0x3f: {  	_ =	shalt  }
0x40: {  	_ =	shalt  }
0x41: {  	_ =	shalt  }
0x42: {  	_ =	shalt  }
0x43: {  	_ =	shalt  }
0x44: {  	_ =	shalt  }
0x45: {  	_ =	shalt  }
0x46: {  	_ =	shalt  }
0x47: {  	_ =	shalt  }
0x48: {  	_ =	shalt  }
0x49: {  	_ =	shalt  }
0x4a: {  	_ =	shalt  }
0x4b: {  	_ =	shalt  }
0x4c: {  	_ =	shalt  }
0x4d: {  	_ =	shalt  }
0x4e: {  	_ =	shalt  }
0x4f: {  	_ =	shalt  }
0x50: {  	_ =	shalt  }
0x51: {  	_ =	shalt  }
0x52: {  	_ =	shalt  }
0x53: {  	_ =	shalt  }
0x54: {  	_ =	shalt  }
0x55: {  	_ =	shalt  }
0x56: {  	_ =	shalt  }
0x57: {  	_ =	shalt  }
0x58: {  	_ =	shalt  }
0x59: {  	_ =	shalt  }
0x5a: {  	_ =	shalt  }
0x5b: {  	_ =	shalt  }
0x5c: {  	_ =	shalt  }
0x5d: {  	_ =	shalt  }
0x5e: {  	_ =	shalt  }
0x5f: {  	_ =	shalt  }
0x60: {  	_ =	shalt  }
0x61: {  	_ =	shalt  }
0x62: {  	_ =	shalt  }
0x63: {  	_ =	shalt  }
0x64: {  	_ =	shalt  }
0x65: {  	_ =	shalt  }
0x66: {  	_ =	shalt  }
0x67: {  	_ =	shalt  }
0x68: {  	_ =	shalt  }
0x69: {  	_ =	shalt  }
0x6a: {  	_ =	shalt  }
0x6b: {  	_ =	shalt  }
0x6c: {  	_ =	shalt  }
0x6d: {  	_ =	shalt  }
0x6e: {  	_ =	shalt  }
0x6f: {  	_ =	shalt  }
0x70: {  	_ =	shalt  }
0x71: {  	_ =	shalt  }
0x72: {  	_ =	shalt  }
0x73: {  	_ =	shalt  }
0x74: {  	_ =	shalt  }
0x75: {  	_ =	shalt  }
0x76: {  	_ =	shalt  }
0x77: {  	_ =	shalt  }
0x78: {  	_ =	shalt  }
0x79: {  	_ =	shalt  }
0x7a: {  	_ =	shalt  }
0x7b: {  	_ =	shalt  }
0x7c: {  	_ =	shalt  }
0x7d: {  	_ =	shalt  }
0x7e: {  	_ =	shalt  }
0x7f: {  	_ =	shalt  }
0x80: {  	_ =	shalt  }
0x81: {  	_ =	shalt  }
0x82: {  	_ =	shalt  }
0x83: {  	_ =	shalt  }
0x84: {  	_ =	shalt  }
0x85: {  	_ =	shalt  }
0x86: {  	_ =	shalt  }
0x87: {  	_ =	shalt  }
.Lfunc_end0:
.L_simem_size_0:
called_computation.1_lowered:
.L_overlay_start_0:
0x88: {  	s2 =	sld [smem:$0x3FD9]  }
0x89: {  	s3 =	sld [smem:$0x3FFE];
	_ =	sdelay $0x1  }
0x8a: {  	s1 =	srdreg.scid  }
0x8b: {  	s0 =	sand.u32 $0x1, s1  }
0x8c: {  	s17 =	sshll.u32 s0, $0xA;
	s2 =	sadd.s32 s3, s2  }
0x8d: {  	s2 =	sadd.s32 s2, s17  }
0x8e: {  	[smem:$0x3FC6] =	sst s2  }
0x8f: {  	_ = 	snop  }
0x90: {  	s2 =	sld [smem:$0x3FD0];
	(tm) =	ssettm $0x1  }
0x91: {  	s18 =	sld [smem:$0x3FFB];
	_ =	sdelay $0x3  }
0x92: {  	_ =	strace s18  }
0x93: {  	s3 =	sld [smem:$0x3FFC];
	_ =	sdelay $0x3  }
0x94: {  	_ =	strace s3  }
0x95: {  	s3 =	sld [smem:$0x3FFD];
	_ =	sdelay $0x3  }
0x96: {  	_ =	strace s3  }
0x97: {  	_ =	strace $0x8FFFFFFF  }
0x98: {  	s19 =	sld [smem:$0x3FDB];
	_ =	sdelay $0x1  }
0x99: {  	s4 =	simm.s32 $_scs_section_size  }
0x9a: {  	s5 =	simm.s32 $_size__tile_overlayer_lowered;
	s6 =	simm.s32 $_tile_overlayer_lowered  }
0x9b: {  	s22 =	simm.s32 $0x1BFF;
	s21 =	sshll.u32 s6, $0x1;
	s3 =	sadd.s32 s4, s19  }
0x9c: {  	s7 =	simm.s32 $0x0;
	s20 =	sshll.u32 s5, $0x1;
	s5 =	sadd.s32 s21, s3  }
0x9d: {  	[timem:s7], [sflag:s22] =	dma.local [hbm:s5], s20  }
0x9e: {  	_ =	swait.ge [sflag:s22], s20  }
0x9f: {  	s4 =	ssub.s32 $0x0, s20;
	[sflag:s22] =	ssyncset.done $0x0  }
0xa0: {  	[sflag:s22] =	ssyncadd.s32 s4;
	_ =	sdelay $0x1  }
0xa1: {  	s23 =	simm.s32 $0x1B8B  }
0xa2: {  	_ =	swait.ge [sflag:s23], $0x1  }
0xa3: {  	[sflag:s23] =	ssyncset.done $0x0  }
0xa4: {  	s25 =	simm.s32 $0x1B8E;
	s24 =	sld [smem:$0x3FFE];
	[sflag:s23] =	ssyncadd.s32 $0xFFFFFFFF  }
0xa5: {  	s26 =	simm.s32 $execute0_lowered;
	[smem:$0x3FD2] =	sst s25  }
0xa6: {  	s5 =	sshll.u32 s26, $0x1;
	_ =	strace $0x80000046;
	[dreg:$0x1] =	wrdreg $0xFFFFFFFF  }
0xa7: {  	s28 =	simm.s32 $_size_execute0_lowered;
	s3 =	sadd.s32 s3, s5;
	[dreg:$0x0] =	wrdreg $0x0  }
0xa8: {  	s5 =	sshll.u32 s28, $0x1;
	[dreg:$0x2] =	wrdreg s3  }
0xa9: {  	[dreg:$0x3] =	wrdreg s5  }
0xaa: {  	[dreg:$0x4] =	wrdreg $0xC0  }
0xab: {  	_ =	task [dreg:s7], $0x5FFFF  }
0xac: {  	[dreg:$0x1] =	wrdreg $0xFFFFFFFF  }
0xad: {  	[dreg:$0x0] =	wrdreg $0x60  }
0xae: {  	[dreg:$0x2] =	wrdreg s24  }
0xaf: {  	[dreg:$0x3] =	wrdreg s2  }
0xb0: {  	[dreg:$0x4] =	wrdreg $0x9  }
0xb1: {  	_ =	task.clear_ibuf [dreg:s7], $0x5FFFF;
	_ =	strace $0x90000046  }
0xb2: {  	s29 =	simm.s32 $0x9;
	_ =	strace $0x80000048  }
0xb3: {  	_ =	swait.ge [sflag:s29], $0x1  }
0xb4: {  	[sflag:s29] =	ssyncadd.s32 $0xFFFFFFFF  }
0xb5: {  	_ =	strace $0x90000048  }
0xb6: {  	_ =	sfence  }
0xb7: {  	s30 =	sld [smem:$0x0];
	_ =	sdelay $0x2  }
0xb8: {  	s31 =	sshll.u32 s1, $0xD;
	s1 =	sshrl.u32 s1, $0x2  }
0xb9: {  	s3 =	sand.u32 $0x4000, s31;
	s1 =	sadd.s32 s1, s30  }
0xba: {  	s0 =	sor.u32 s3, s0;
	s1 =	sshll.u32 s1, $0x11  }
0xbb: {  	s0 =	sor.u32 s1, s0  }
0xbc: {  	s0 =	sadd.s32 $0x8F2B, s0  }
0xbd: {  	[sflag:s0] =	ssyncadd.remote.s32 $0x1  }
0xbe: {  	_ =	sfence.sel $0xFFFF  }
0xbf: {  	[dreg:$0x0] =	wrdreg $0xFFFFFFFF;
	(pc) =	sbr.abs _section_cstart, $3  }
0xc0: {  	[dreg:$0x1] =	wrdreg $0xFFFFFFFF  }
0xc1: {  	_ =	task.clear_ibuf [dreg:s7], $0x2FFFF;
	_ =	strace $0x9FFFFFFF  }
0xc2: {  	(tm) =	ssettm $0x7FFFFFFF  }
0xc3: {  	_ =	shalt  }
tec
execute0_lowered:
.L_overlay_start_1:
0x0: {  	(tag) =	ssettag $0x1  }
0x1: {  	s0 =	rddreg [dreg:$0x0];
	s1 =	srdreg.scid  }
0x2: {  	s3 =	stileid.u32;
	s2 =	rddreg [dreg:$0x1]  }
0x3: {  	s11 =	simm.s32 $0x3;
	s12 =	simm.s32 $0x80;
	s13 =	simm.s32 $0x400  }
0x4: {  	s17 =	simm.s32 $0x180;
	s18 =	simm.s32 $0x6400;
	s19 =	simm.s32 $0x200  }
0x5: {  	s20 =	simm.s32 $0x8400;
	s21 =	simm.s32 $0x280;
	s22 =	simm.s32 $0xA400  }
0x6: {  	s23 =	simm.s32 $0x300;
	s24 =	simm.s32 $0xC400;
	s25 =	simm.s32 $0x380  }
0x7: {  	s26 =	simm.s32 $0xE400;
	s28 =	simm.s32 $0x1;
	s29 =	simm.s32 $0x2  }
0x8: {  	s30 =	simm.s32 $0x0;
	s1 =	sand.u32 $0x1, s1;
	s4 =	sshll.u32 s3, $0x1  }
0x9: {  	s3 =	simm.s32 $0x0;
	s5 =	sadd.s32 $0xA00, s0;
	s8 =	sor.u32 s1, s4  }
0xa: {  	[smem:$0x7FF] =	sst s3;
	s1 =	ssub.s32 $0x2, s1;
	s4 =	smul.u32 $0x6400, s8  }
0xb: {  	s6 =	sadd.s32 $0xF42E00, s0;
	_ =	strace $0x80000047;
	s31 =	sshrl.u32 s1, $0x1  }
0xc: {  	s8 =	smul.u32 $0x190000, s8;
	s0 =	ssub.s32 s1, s31;
	s7 =	sshrl.u32 s4, $0x3  }
0xd: {  	s9 =	sadd.s32 $0x400, s4;
	s10 =	smax.u32 s0, $0x1;
	s7 =	sadd.s32 s5, s7  }
.LBB2_1:
0xe: {  	[tilespmem:s3], [sflag:$0x3] =	stream.linear.gather [hbm4b:s7+s3], $0x200, $0x38;
	[tilespmem:$0x10400] =	vst v63  }
0xf: {  	_ =	swait.ge [sflag:s11], $0x200  }
0x10: {  	[sflag:s11] =	ssyncset.done $0x0  }
0x11: {  	[sflag:s11] =	ssyncadd.s32 $0xFFFFFE00  }
0x12: {  	[tilespmem:s13], [sflag:$0x1] =	stream.indirect.gather [hbm4b:s6+s12], $0x40, s3, s12, $0xb8;
	[tilespmem:$0x10400] =	vst v63  }
0x13: {  	s0 =	simm.s32 $0x2400  }
0x14: {  	[tilespmem:s0], [sflag:$0x1] =	stream.indirect.gather [hbm4b:s6+s12], $0x40, s12, s12, $0xb8;
	[tilespmem:$0x10400] =	vst v63  }
0x15: {  	s31 =	simm.s32 $0x100;
	s1 =	simm.s32 $0x4400  }
0x16: {  	[tilespmem:s1], [sflag:$0x1] =	stream.indirect.gather [hbm4b:s6+s12], $0x40, s31, s12, $0xb8;
	[tilespmem:$0x10400] =	vst v63  }
0x17: {  	s1 =	simm.s32 $0x0  }
0x18: {  	[tilespmem:s18], [sflag:$0x1] =	stream.indirect.gather [hbm4b:s6+s12], $0x40, s17, s12, $0xb8;
	[tilespmem:$0x10400] =	vst v63  }
.LBB2_2:
0x19: {  	s0 =	sshll.u32 s1, $0xA  }
0x1a: {  	s14 =	sadd.s32 s0, s4  }
0x1b: {  	s31 =	sadd.s32 $0x200, s14  }
0x1c: {  	s14 =	sshrl.u32 s31, $0x3  }
0x1d: {  	s14 =	sadd.s32 s5, s14  }
0x1e: {  	[tilespmem:s19], [sflag:$0x3] =	stream.linear.gather [hbm4b:s14+s3], $0x200, $0x38;
	[tilespmem:$0x10400] =	vst v63  }
0x1f: {  	_ =	swait.ge [sflag:s11], $0x200  }
0x20: {  	[sflag:s11] =	ssyncset.done $0x0  }
0x21: {  	[sflag:s11] =	ssyncadd.s32 $0xFFFFFE00  }
0x22: {  	[tilespmem:s20], [sflag:$0x2] =	stream.indirect.gather [hbm4b:s6+s12], $0x40, s19, s12, $0xb8;
	[tilespmem:$0x10400] =	vst v63  }
0x23: {  	_ = 	snop  }
0x24: {  	[tilespmem:s22], [sflag:$0x2] =	stream.indirect.gather [hbm4b:s6+s12], $0x40, s21, s12, $0xb8;
	[tilespmem:$0x10400] =	vst v63  }
0x25: {  	_ = 	snop  }
0x26: {  	[tilespmem:s24], [sflag:$0x2] =	stream.indirect.gather [hbm4b:s6+s12], $0x40, s23, s12, $0xb8;
	[tilespmem:$0x10400] =	vst v63  }
0x27: {  	_ = 	snop  }
0x28: {  	[tilespmem:s26], [sflag:$0x2] =	stream.indirect.gather [hbm4b:s6+s12], $0x40, s25, s12, $0xb8;
	[tilespmem:$0x10400] =	vst v63  }
0x29: {  	_ =	swait.ge [sflag:s28], $0x2000  }
0x2a: {  	[sflag:s28] =	ssyncset.done $0x0  }
0x2b: {  	[sflag:s28] =	ssyncadd.s32 $0xFFFFE000  }
0x2c: {  	_ =	swait.ge [sflag:s28], $0x2000  }
0x2d: {  	[sflag:s28] =	ssyncset.done $0x0  }
0x2e: {  	[sflag:s28] =	ssyncadd.s32 $0xFFFFE000  }
0x2f: {  	_ =	swait.ge [sflag:s28], $0x2000  }
0x30: {  	[sflag:s28] =	ssyncset.done $0x0  }
0x31: {  	[sflag:s28] =	ssyncadd.s32 $0xFFFFE000  }
0x32: {  	_ =	swait.ge [sflag:s28], $0x2000  }
0x33: {  	[sflag:s28] =	ssyncset.done $0x0  }
0x34: {  	s14 =	simm.s32 $0x480;
	[sflag:s28] =	ssyncadd.s32 $0xFFFFE000  }
0x35: {  	v0 =	vld [tilespmem:s14+$0xFFFFFF80]  }
0x36: {  	v1 =	vld [tilespmem:s14+$0xFFFFFF90]  }
0x37: {  	v2 =	vld [tilespmem:s14+$0xFFFFFFA0]  }
0x38: {  	v3 =	vld [tilespmem:s14+$0xFFFFFFB0]  }
0x39: {  	v4 =	vld [tilespmem:s14+$0xFFFFFFC0]  }
0x3a: {  	v5 =	vld [tilespmem:s14+$0xFFFFFFD0];
	v0 =	vmul.f32 $8.000000000e+00, v0  }
0x3b: {  	v6 =	vld [tilespmem:s14+$0xFFFFFFE0];
	v1 =	vmul.f32 $8.000000000e+00, v1  }
0x3c: {  	[tilespmem:s14+$0xFFFFFF80] =	vst v0;
	v0 =	vmul.f32 $8.000000000e+00, v2;
	v2 =	vld [tilespmem:s14+$0x0]  }
0x3d: {  	[tilespmem:s14+$0xFFFFFF90] =	vst v1;
	v1 =	vmul.f32 $8.000000000e+00, v3;
	v3 =	vld [tilespmem:s14+$0x10]  }
0x3e: {  	[tilespmem:s14+$0xFFFFFFA0] =	vst v0;
	v0 =	vmul.f32 $8.000000000e+00, v4;
	v4 =	vld [tilespmem:s14+$0x20]  }
0x3f: {  	v7 =	vld [tilespmem:s14+$0x30];
	[tilespmem:s14+$0xFFFFFFB0] =	vst v1;
	v1 =	vmul.f32 $8.000000000e+00, v5  }
0x40: {  	v5 =	vmul.f32 $8.000000000e+00, v6;
	[tilespmem:s14+$0xFFFFFFC0] =	vst v0;
	v0 =	vld [tilespmem:s14+$0x40]  }
0x41: {  	[tilespmem:s14+$0xFFFFFFD0] =	vst v1;
	v1 =	vmul.f32 $8.000000000e+00, v2;
	v2 =	vld [tilespmem:s14+$0x50]  }
0x42: {  	[tilespmem:s14+$0xFFFFFFE0] =	vst v5;
	v6 =	vmul.f32 $8.000000000e+00, v3;
	v3 =	vld [tilespmem:s14+$0x60]  }
0x43: {  	[tilespmem:s14+$0x0] =	vst v1;
	v5 =	vmul.f32 $8.000000000e+00, v4;
	v4 =	vld [tilespmem:s14+$0x70]  }
0x44: {  	s15 =	simm.s32 $0x0;
	s16 =	simm.s32 $0x580;
	v1 =	vld [tilespmem:s14+$0xFFFFFFF0];
	[tilespmem:s14+$0x10] =	vst v6;
	v6 =	vmul.f32 $8.000000000e+00, v7  }
.LBB2_3:
0x45: {  	v7 =	vld [tilespmem:s16+$0xFFFFFF80];
	[tilespmem:s14+$0x20] =	vst v5;
	v0 =	vmul.f32 $8.000000000e+00, v0  }
0x46: {  	v5 =	vld [tilespmem:s16+$0xFFFFFF90];
	[tilespmem:s14+$0x30] =	vst v6;
	v2 =	vmul.f32 $8.000000000e+00, v2  }
0x47: {  	v6 =	vld [tilespmem:s16+$0xFFFFFFA0];
	[tilespmem:s14+$0x40] =	vst v0;
	v0 =	vmul.f32 $8.000000000e+00, v3  }
0x48: {  	v3 =	vld [tilespmem:s16+$0xFFFFFFB0];
	[tilespmem:s14+$0x50] =	vst v2;
	v2 =	vmul.f32 $8.000000000e+00, v4  }
0x49: {  	v4 =	vld [tilespmem:s16+$0xFFFFFFC0];
	v1 =	vmul.f32 $8.000000000e+00, v1;
	[tilespmem:s14+$0x60] =	vst v0  }
0x4a: {  	v0 =	vmul.f32 $8.000000000e+00, v7;
	v7 =	vld [tilespmem:s16+$0xFFFFFFD0];
	[tilespmem:s14+$0x70] =	vst v2  }
0x4b: {  	v2 =	vmul.f32 $8.000000000e+00, v5;
	v5 =	vld [tilespmem:s16+$0xFFFFFFE0];
	[tilespmem:s14+$0xFFFFFFF0] =	vst v1;
	s14 =	smov.u32 s16  }
0x4c: {  	[tilespmem:s16+$0xFFFFFF80] =	vst v0;
	v0 =	vmul.f32 $8.000000000e+00, v6;
	v1 =	vld [tilespmem:s16+$0x0]  }
0x4d: {  	[tilespmem:s16+$0xFFFFFF90] =	vst v2;
	v2 =	vmul.f32 $8.000000000e+00, v3;
	v3 =	vld [tilespmem:s16+$0x10]  }
0x4e: {  	s15 =	sadd.s32 $0x4, s15;
	[tilespmem:s16+$0xFFFFFFA0] =	vst v0;
	v0 =	vmul.f32 $8.000000000e+00, v4;
	v4 =	vld [tilespmem:s16+$0x20]  }
0x4f: {  	p0 =	slt.u32 s15, $0x1FC;
	[tilespmem:s16+$0xFFFFFFB0] =	vst v2;
	v2 =	vmul.f32 $8.000000000e+00, v7;
	v6 =	vld [tilespmem:s16+$0x30]  }
.Ltmp0:
0x50: {  	[tilespmem:s16+$0xFFFFFFC0] =	vst v0;
	v5 =	vmul.f32 $8.000000000e+00, v5;
	v0 =	vld [tilespmem:s16+$0x40];
	(pc) =	sbr.rel @p0 .LBB2_3-.Ltmp0, $4  }
0x51: {  	[tilespmem:s16+$0xFFFFFFD0] =	vst v2;
	v1 =	vmul.f32 $8.000000000e+00, v1;
	v2 =	vld [tilespmem:s16+$0x50]  }
0x52: {  	[tilespmem:s16+$0xFFFFFFE0] =	vst v5;
	v7 =	vmul.f32 $8.000000000e+00, v3;
	v3 =	vld [tilespmem:s16+$0x60]  }
0x53: {  	[tilespmem:s16+$0x0] =	vst v1;
	v5 =	vmul.f32 $8.000000000e+00, v4;
	v4 =	vld [tilespmem:s16+$0x70]  }
0x54: {  	s16 =	sadd.s32 $0x100, s16;
	v1 =	vld [tilespmem:s14+$0xFFFFFFF0];
	[tilespmem:s14+$0x10] =	vst v7;
	v6 =	vmul.f32 $8.000000000e+00, v6  }
0x55: {  	[tilespmem:s14+$0x20] =	vst v5;
	v0 =	vmul.f32 $8.000000000e+00, v0  }
0x56: {  	[tilespmem:s14+$0x30] =	vst v6;
	v2 =	vmul.f32 $8.000000000e+00, v2  }
0x57: {  	[tilespmem:s14+$0x40] =	vst v0;
	v0 =	vmul.f32 $8.000000000e+00, v3  }
0x58: {  	s15 =	sshll.u32 s1, $0x10;
	[tilespmem:s14+$0x50] =	vst v2;
	v2 =	vmul.f32 $8.000000000e+00, v4  }
0x59: {  	s15 =	sadd.s32 s8, s15;
	v1 =	vmul.f32 $8.000000000e+00, v1;
	[tilespmem:s14+$0x60] =	vst v0  }
0x5a: {  	s15 =	sshrl.u32 s15, $0x3;
	[tilespmem:s14+$0x70] =	vst v2  }
0x5b: {  	p0 =	seq.s32 s1, $0x18;
	s16 =	sadd.s32 s2, s15;
	[tilespmem:s14+$0xFFFFFFF0] =	vst v1  }
0x5c: {  	[hbm4b:s16+s3] =	stream.linear.scatter [tilespmem:s13], [sflag:$0x3], $0x8000, $0x38;
	[tilespmem:$0x10400] =	vst v63  }
0x5d: {  	s0 =	sadd.s32 @!p0 s0, s9;
	_ =	swait.ge [sflag:s11], $0x8000  }
0x5e: {  	s0 =	sshrl.u32 @!p0 s0, $0x3;
	[sflag:s11] =	ssyncset.done $0x0  }
0x5f: {  	s0 =	sadd.s32 @!p0 s5, s0;
	s14 =	simm.s32 @!p0 $0x0;
	[sflag:s11] =	ssyncadd.s32 $0xFFFF8000  }
0x60: {  	[tilespmem:s14], [sflag:$0x3] =	stream.linear.gather @!p0 [hbm4b:s0+s14], $0x200, $0x38;
	[tilespmem:$0x10400] =	vst v63  }
0x61: {  	s0 =	simm.s32 @!p0 $0x3  }
0x62: {  	_ =	swait.ge @!p0 [sflag:s0], $0x200  }
0x63: {  	[sflag:s0] =	ssyncset.done @!p0 $0x0  }
0x64: {  	s15 =	simm.s32 @!p0 $0x400;
	[sflag:s0] =	ssyncadd.s32 @!p0 $0xFFFFFE00;
	s0 =	simm.s32 @!p0 $0x80  }
0x65: {  	[tilespmem:s15], [sflag:$0x1] =	stream.indirect.gather @!p0 [hbm4b:s6+s0], $0x40, s14, s0, $0xb8;
	[tilespmem:$0x10400] =	vst v63  }
0x66: {  	s14 =	simm.s32 @!p0 $0x2400  }
0x67: {  	[tilespmem:s14], [sflag:$0x1] =	stream.indirect.gather @!p0 [hbm4b:s6+s0], $0x40, s0, s0, $0xb8;
	[tilespmem:$0x10400] =	vst v63  }
0x68: {  	s15 =	simm.s32 @!p0 $0x4400;
	s14 =	simm.s32 @!p0 $0x100  }
0x69: {  	[tilespmem:s15], [sflag:$0x1] =	stream.indirect.gather @!p0 [hbm4b:s6+s0], $0x40, s14, s0, $0xb8;
	[tilespmem:$0x10400] =	vst v63  }
0x6a: {  	s14 =	simm.s32 @!p0 $0x180;
	s15 =	simm.s32 @!p0 $0x6400  }
0x6b: {  	[tilespmem:s15], [sflag:$0x1] =	stream.indirect.gather @!p0 [hbm4b:s6+s0], $0x40, s14, s0, $0xb8;
	[tilespmem:$0x10400] =	vst v63  }
0x6c: {  	_ =	swait.ge [sflag:s29], $0x2000  }
0x6d: {  	[sflag:s29] =	ssyncset.done $0x0  }
0x6e: {  	[sflag:s29] =	ssyncadd.s32 $0xFFFFE000  }
0x6f: {  	_ =	swait.ge [sflag:s29], $0x2000  }
0x70: {  	[sflag:s29] =	ssyncset.done $0x0  }
0x71: {  	[sflag:s29] =	ssyncadd.s32 $0xFFFFE000  }
0x72: {  	_ =	swait.ge [sflag:s29], $0x2000  }
0x73: {  	[sflag:s29] =	ssyncset.done $0x0  }
0x74: {  	[sflag:s29] =	ssyncadd.s32 $0xFFFFE000  }
0x75: {  	_ =	swait.ge [sflag:s29], $0x2000  }
0x76: {  	[sflag:s29] =	ssyncset.done $0x0  }
0x77: {  	s0 =	simm.s32 $0x8480;
	[sflag:s29] =	ssyncadd.s32 $0xFFFFE000  }
0x78: {  	v0 =	vld [tilespmem:s0+$0xFFFFFF80]  }
0x79: {  	v1 =	vld [tilespmem:s0+$0xFFFFFF90]  }
0x7a: {  	v2 =	vld [tilespmem:s0+$0xFFFFFFA0]  }
0x7b: {  	v3 =	vld [tilespmem:s0+$0xFFFFFFB0]  }
0x7c: {  	v4 =	vld [tilespmem:s0+$0xFFFFFFC0]  }
0x7d: {  	v5 =	vld [tilespmem:s0+$0xFFFFFFD0];
	v0 =	vmul.f32 $8.000000000e+00, v0  }
0x7e: {  	v6 =	vld [tilespmem:s0+$0xFFFFFFE0];
	v1 =	vmul.f32 $8.000000000e+00, v1  }
0x7f: {  	[tilespmem:s0+$0xFFFFFF80] =	vst v0;
	v0 =	vmul.f32 $8.000000000e+00, v2;
	v2 =	vld [tilespmem:s0+$0x0]  }
0x80: {  	[tilespmem:s0+$0xFFFFFF90] =	vst v1;
	v1 =	vmul.f32 $8.000000000e+00, v3;
	v3 =	vld [tilespmem:s0+$0x10]  }
0x81: {  	[tilespmem:s0+$0xFFFFFFA0] =	vst v0;
	v0 =	vmul.f32 $8.000000000e+00, v4;
	v4 =	vld [tilespmem:s0+$0x20]  }
0x82: {  	v7 =	vld [tilespmem:s0+$0x30];
	[tilespmem:s0+$0xFFFFFFB0] =	vst v1;
	v1 =	vmul.f32 $8.000000000e+00, v5  }
0x83: {  	v5 =	vmul.f32 $8.000000000e+00, v6;
	[tilespmem:s0+$0xFFFFFFC0] =	vst v0;
	v0 =	vld [tilespmem:s0+$0x40]  }
0x84: {  	[tilespmem:s0+$0xFFFFFFD0] =	vst v1;
	v1 =	vld [tilespmem:s0+$0x50];
	v2 =	vmul.f32 $8.000000000e+00, v2  }
0x85: {  	[tilespmem:s0+$0xFFFFFFE0] =	vst v5;
	v6 =	vmul.f32 $8.000000000e+00, v3;
	v3 =	vld [tilespmem:s0+$0x60]  }
0x86: {  	[tilespmem:s0+$0x0] =	vst v2;
	v5 =	vmul.f32 $8.000000000e+00, v4;
	v4 =	vld [tilespmem:s0+$0x70]  }
0x87: {  	s1 =	sadd.s32 $0x1, s1;
	s14 =	simm.s32 $0x0;
	s15 =	simm.s32 $0x8580;
	v2 =	vld [tilespmem:s0+$0xFFFFFFF0];
	[tilespmem:s0+$0x10] =	vst v6;
	v6 =	vmul.f32 $8.000000000e+00, v7  }
.LBB2_5:
0x88: {  	v7 =	vld [tilespmem:s15+$0xFFFFFF80];
	[tilespmem:s0+$0x20] =	vst v5;
	v0 =	vmul.f32 $8.000000000e+00, v0  }
0x89: {  	v5 =	vld [tilespmem:s15+$0xFFFFFF90];
	[tilespmem:s0+$0x30] =	vst v6;
	v1 =	vmul.f32 $8.000000000e+00, v1  }
0x8a: {  	v6 =	vld [tilespmem:s15+$0xFFFFFFA0];
	[tilespmem:s0+$0x40] =	vst v0;
	v0 =	vmul.f32 $8.000000000e+00, v3  }
0x8b: {  	v3 =	vld [tilespmem:s15+$0xFFFFFFB0];
	[tilespmem:s0+$0x50] =	vst v1;
	v1 =	vmul.f32 $8.000000000e+00, v4  }
0x8c: {  	v4 =	vld [tilespmem:s15+$0xFFFFFFC0];
	v2 =	vmul.f32 $8.000000000e+00, v2;
	[tilespmem:s0+$0x60] =	vst v0  }
0x8d: {  	v0 =	vmul.f32 $8.000000000e+00, v7;
	v7 =	vld [tilespmem:s15+$0xFFFFFFD0];
	[tilespmem:s0+$0x70] =	vst v1  }
0x8e: {  	v1 =	vmul.f32 $8.000000000e+00, v5;
	v5 =	vld [tilespmem:s15+$0xFFFFFFE0];
	[tilespmem:s0+$0xFFFFFFF0] =	vst v2;
	s0 =	smov.u32 s15  }
0x8f: {  	[tilespmem:s15+$0xFFFFFF80] =	vst v0;
	v0 =	vmul.f32 $8.000000000e+00, v6;
	v2 =	vld [tilespmem:s15+$0x0]  }
0x90: {  	[tilespmem:s15+$0xFFFFFF90] =	vst v1;
	v1 =	vmul.f32 $8.000000000e+00, v3;
	v3 =	vld [tilespmem:s15+$0x10]  }
0x91: {  	s14 =	sadd.s32 $0x4, s14;
	[tilespmem:s15+$0xFFFFFFA0] =	vst v0;
	v0 =	vmul.f32 $8.000000000e+00, v4;
	v4 =	vld [tilespmem:s15+$0x20]  }
0x92: {  	p0 =	slt.u32 s14, $0x1FC;
	[tilespmem:s15+$0xFFFFFFB0] =	vst v1;
	v1 =	vmul.f32 $8.000000000e+00, v7;
	v6 =	vld [tilespmem:s15+$0x30]  }
.Ltmp1:
0x93: {  	[tilespmem:s15+$0xFFFFFFC0] =	vst v0;
	v5 =	vmul.f32 $8.000000000e+00, v5;
	v0 =	vld [tilespmem:s15+$0x40];
	(pc) =	sbr.rel @p0 .LBB2_5-.Ltmp1, $4  }
0x94: {  	[tilespmem:s15+$0xFFFFFFD0] =	vst v1;
	v2 =	vmul.f32 $8.000000000e+00, v2;
	v1 =	vld [tilespmem:s15+$0x50]  }
0x95: {  	[tilespmem:s15+$0xFFFFFFE0] =	vst v5;
	v7 =	vmul.f32 $8.000000000e+00, v3;
	v3 =	vld [tilespmem:s15+$0x60]  }
0x96: {  	[tilespmem:s15+$0x0] =	vst v2;
	v5 =	vmul.f32 $8.000000000e+00, v4;
	v4 =	vld [tilespmem:s15+$0x70]  }
0x97: {  	s15 =	sadd.s32 $0x100, s15;
	v2 =	vld [tilespmem:s0+$0xFFFFFFF0];
	[tilespmem:s0+$0x10] =	vst v7;
	v6 =	vmul.f32 $8.000000000e+00, v6  }
0x98: {  	[tilespmem:s0+$0x20] =	vst v5;
	v0 =	vmul.f32 $8.000000000e+00, v0  }
0x99: {  	[tilespmem:s0+$0x30] =	vst v6;
	v1 =	vmul.f32 $8.000000000e+00, v1  }
0x9a: {  	[tilespmem:s0+$0x40] =	vst v0;
	v62 =	vmul.f32 $8.000000000e+00, v3  }
0x9b: {  	[tilespmem:s0+$0x50] =	vst v1;
	v63 =	vmul.f32 $8.000000000e+00, v4  }
0x9c: {  	s14 =	sshll.u32 s31, $0x3;
	v2 =	vmul.f32 $8.000000000e+00, v2;
	[tilespmem:s0+$0x60] =	vst v62  }
0x9d: {  	p0 =	sne.s32 s1, $0x19;
	s14 =	sand.u32 $0x1FFFF000, s14;
	[tilespmem:s0+$0x70] =	vst v63  }
.Ltmp2:
0x9e: {  	s31 =	sadd.s32 s2, s14;
	[tilespmem:s0+$0xFFFFFFF0] =	vst v2;
	(pc) =	sbr.rel @p0 .LBB2_2-.Ltmp2, $4  }
0x9f: {  	[hbm4b:s31+s3] =	stream.linear.scatter [tilespmem:s20], [sflag:$0x3], $0x8000, $0x38;
	[tilespmem:$0x10400] =	vst v63  }
0xa0: {  	_ =	swait.ge [sflag:s11], $0x8000  }
0xa1: {  	[sflag:s11] =	ssyncset.done $0x0  }
0xa2: {  	[sflag:s11] =	ssyncadd.s32 $0xFFFF8000  }
0xa3: {  	s30 =	sadd.s32 $0x1, s30  }
0xa4: {  	p0 =	sne.s32 s30, s10  }
.Ltmp3:
0xa5: {  	_ = 	snop;
	(pc) =	sbr.rel @p0 .LBB2_1-.Ltmp3, $1  }
0xa6: {  	_ =	sdelay $0x3  }
0xa7: {  	_ =	sfence.sel $0x180000  }
0xa8: {  	[bflag:$0x0] =	sbarrier.arrive $0xFFFF  }
0xa9: {  	_ =	strace $0x90000047  }
0xaa: {  	s0 =	stileid.u32;
	[bflag:$0x2] =	sbarrier.arrive $0xFFFF  }
0xab: {  	p0 =	sne.s32 s0, $0x0;
	s0 =	rddreg [dreg:$0x2]  }
0xac: {  	s0 =	sadd.s32 @!p0 $0x100000, s0  }
0xad: {  	[sflag:s0] =	ssyncadd.tile.s32 @!p0 $0x1;
	_ =	shalt  }
.Lfunc_end2:
_tile_overlayer_lowered:
.L_overlay_start_2:
0xae: {  	(tag) =	ssettag $0x2  }
0xaf: {  	s0 =	rddreg [dreg:$0x0];
	s2 =	stileid.u32  }
0xb0: {  	s1 =	rddreg [dreg:$0x1];
	p0 =	sne.s32 s2, $0x0  }
0xb1: {  	s3 =	rddreg [dreg:$0x2];
	[bflag:$0x3] =	sbarrier.arrive $0xFFFF;
	s2 =	simm.s32 @!p0 $0x1C03  }
0xb2: {  	[timem:s3], [sflag:s2] =	dma.local @!p0 [hbm:s0], s1  }
0xb3: {  	s0 =	simm.s32 @!p0 $0x3  }
0xb4: {  	_ =	swait.ge @!p0 [sflag:s0], s1  }
0xb5: {  	s1 =	ssub.s32 @!p0 $0x0, s1;
	[sflag:s0] =	ssyncset.done @!p0 $0x0  }
0xb6: {  	[sflag:s0] =	ssyncadd.s32 @!p0 s1  }
0xb7: {  	[bflag:$0x3] =	sbarrier.arrive $0xFFFF  }
0xb8: {  	_ =	shalt  }

// kernel: sparse-core-data-format-call.cloned.1.call-start
scs
called_computation_lowered:
.L_overlay_start_0:
0x0: {  	s2 =	sld [smem:$0x3FD9]  }
0x1: {  	s3 =	sld [smem:$0x3FFE];
	_ =	sdelay $0x1  }
0x2: {  	s1 =	srdreg.scid  }
0x3: {  	s0 =	sand.u32 $0x1, s1  }
0x4: {  	s18 =	sshll.u32 s0, $0xA;
	s2 =	sadd.s32 s3, s2  }
0x5: {  	s2 =	sadd.s32 s2, s18  }
0x6: {  	[smem:$0x3FC6] =	sst s2  }
0x7: {  	_ = 	snop  }
0x8: {  	s2 =	sld [smem:$0x3FD0];
	(tm) =	ssettm $0x1  }
0x9: {  	s19 =	sld [smem:$0x3FFB];
	_ =	sdelay $0x3  }
0xa: {  	_ =	strace s19  }
0xb: {  	s3 =	sld [smem:$0x3FFC];
	_ =	sdelay $0x3  }
0xc: {  	_ =	strace s3  }
0xd: {  	s3 =	sld [smem:$0x3FFD];
	_ =	sdelay $0x3  }
0xe: {  	_ =	strace s3  }
0xf: {  	_ =	strace $0x8FFFFFFF  }
0x10: {  	s20 =	sld [smem:$0x3FDB];
	_ =	sdelay $0x1  }
0x11: {  	s4 =	simm.s32 $_scs_section_size  }
0x12: {  	s5 =	simm.s32 $_size__tile_overlayer_lowered;
	s6 =	simm.s32 $_tile_overlayer_lowered  }
0x13: {  	s23 =	simm.s32 $0x1BFF;
	s22 =	sshll.u32 s6, $0x1;
	s3 =	sadd.s32 s4, s20  }
0x14: {  	s7 =	simm.s32 $0x0;
	s21 =	sshll.u32 s5, $0x1;
	s5 =	sadd.s32 s22, s3  }
0x15: {  	[timem:s7], [sflag:s23] =	dma.local [hbm:s5], s21  }
0x16: {  	_ =	swait.ge [sflag:s23], s21  }
0x17: {  	s4 =	ssub.s32 $0x0, s21;
	[sflag:s23] =	ssyncset.done $0x0  }
0x18: {  	[sflag:s23] =	ssyncadd.s32 s4;
	_ =	sdelay $0x1  }
0x19: {  	s24 =	simm.s32 $0x1B8B  }
0x1a: {  	_ =	swait.ge [sflag:s24], $0x1  }
0x1b: {  	[sflag:s24] =	ssyncset.done $0x0  }
0x1c: {  	s26 =	simm.s32 $0x1B8E;
	s25 =	sld [smem:$0x3FFE];
	[sflag:s24] =	ssyncadd.s32 $0xFFFFFFFF  }
0x1d: {  	s27 =	simm.s32 $execute0_lowered;
	[smem:$0x3FD2] =	sst s26  }
0x1e: {  	s5 =	sshll.u32 s27, $0x1;
	_ =	strace $0x80000049;
	[dreg:$0x1] =	wrdreg $0xFFFFFFFF  }
0x1f: {  	s28 =	simm.s32 $_size_execute0_lowered;
	s3 =	sadd.s32 s3, s5;
	[dreg:$0x0] =	wrdreg $0x0  }
0x20: {  	s5 =	sshll.u32 s28, $0x1;
	[dreg:$0x2] =	wrdreg s3  }
0x21: {  	[dreg:$0x3] =	wrdreg s5  }
0x22: {  	[dreg:$0x4] =	wrdreg $0xC0  }
0x23: {  	_ =	task [dreg:s7], $0x5FFFF  }
0x24: {  	[dreg:$0x1] =	wrdreg $0xFFFFFFFF  }
0x25: {  	[dreg:$0x0] =	wrdreg $0x60  }
0x26: {  	[dreg:$0x2] =	wrdreg s25  }
0x27: {  	[dreg:$0x3] =	wrdreg s2  }
0x28: {  	[dreg:$0x4] =	wrdreg $0x9  }
0x29: {  	_ =	task.clear_ibuf [dreg:s7], $0x5FFFF;
	_ =	strace $0x90000049  }
0x2a: {  	s29 =	simm.s32 $0x9;
	_ =	strace $0x8000004B  }
0x2b: {  	_ =	swait.ge [sflag:s29], $0x1  }
0x2c: {  	[sflag:s29] =	ssyncadd.s32 $0xFFFFFFFF  }
0x2d: {  	_ =	strace $0x9000004B  }
0x2e: {  	_ =	sfence  }
0x2f: {  	s30 =	sld [smem:$0x0];
	_ =	sdelay $0x2  }
0x30: {  	s31 =	sshll.u32 s1, $0xD;
	s1 =	sshrl.u32 s1, $0x2  }
0x31: {  	s3 =	sand.u32 $0x4000, s31;
	s1 =	sadd.s32 s1, s30  }
0x32: {  	s0 =	sor.u32 s3, s0;
	s1 =	sshll.u32 s1, $0x11  }
0x33: {  	s0 =	sor.u32 s1, s0  }
0x34: {  	s0 =	sadd.s32 $0x8F2B, s0  }
0x35: {  	[sflag:s0] =	ssyncadd.remote.s32 $0x1  }
0x36: {  	_ =	sfence.sel $0xFFFF  }
0x37: {  	[dreg:$0x0] =	wrdreg $0xFFFFFFFF;
	(pc) =	sbr.abs _section_cstart, $3  }
0x38: {  	[dreg:$0x1] =	wrdreg $0xFFFFFFFF  }
0x39: {  	_ =	task.clear_ibuf [dreg:s7], $0x2FFFF;
	_ =	strace $0x9FFFFFFF  }
0x3a: {  	(tm) =	ssettm $0x7FFFFFFF  }
0x3b: {  	_ =	shalt  }
tec
execute0_lowered:
.L_overlay_start_1:
0x0: {  	(tag) =	ssettag $0x1  }
0x1: {  	s0 =	srdreg.scid  }
0x2: {  	s1 =	sshll.u32 s0, $0x4  }
0x3: {  	s0 =	stileid.u32;
	s1 =	sand.u32 $0x10, s1  }
0x4: {  	s1 =	sor.u32 s0, s1  }
0x5: {  	s6 =	rddreg [dreg:$0x0];
	s4 =	simm.s32 $0x1;
	s2 =	sshll.u32 s1, $0x7  }
0x6: {  	s7 =	simm.s32 $0x2;
	s12 =	simm.s32 $0x0;
	s1 =	ssub.s32 $0x1000, s2  }
0x7: {  	s8 =	simm.s32 $0x8000;
	s13 =	simm.s32 $0x0;
	s3 =	sand.u32 $0xF80, s1  }
0x8: {  	s9 =	simm.s32 $0x0;
	s5 =	sshrl.u32 s1, $0xC;
	p0 =	sne.s32 s3, $0x0  }
.Ltmp0:
0x9: {  	s1 =	rddreg [dreg:$0x2];
	s4 =	simm.s32 @!p0 $0x0;
	(pc) =	sbr.rel .LBB1_1-.Ltmp0, $4  }
0xa: {  	s11 =	simm.s32 $0x0;
	s3 =	rddreg [dreg:$0x1];
	s5 =	sadd.s32 s4, s5  }
0xb: {  	_ =	strace $0x8000004A;
	s4 =	simm.s32 $0x1;
	s5 =	smul.u32 $0xC8, s5  }
0xc: {  	s6 =	sadd.s32 $0xA00, s6;
	s10 =	smov.u32 s2;
	[sflag:s4] =	ssyncpa.u1 $0x0  }
0xd: {  	p0 =	por $0x0, $0x0;
	[sflag:s7] =	ssyncpa.u1 $0x0;
	s7 =	sor.u32 $0x1, s5  }
.LBB1_4:
0xe: {  	s16 =	sshll.u32 s13, $0x3;
	s17 =	sand.u32 $0x78, s13  }
0xf: {  	s30 =	sand.u32 $0x7E00, s13;
	s12 =	sshll.u32 s12, $0xF;
	s16 =	sand.u32 $0xC00, s16  }
0x10: {  	[tilespmem:s15+$0x810 ss:$0x81] =	vst.msk $0xffff, v2;
	s31 =	sand.u32 $0x7, s13;
	s16 =	sor.u32 s17, s16;
	s17 =	sadd.s32 s3, s30  }
0x11: {  	[tilespmem:s15+$0x1020 ss:$0x81] =	vst.msk $0xffff, v0;
	s13 =	sshll.u32 s31, $0x12;
	s12 =	sadd.s32 s12, s17;
	s16 =	sshrl.u32 s16, $0x3  }
0x12: {  	[tilespmem:s15+$0x0 ss:$0x81] =	vst.msk $0xffff, v1;
	s13 =	sor.u32 $0x400, s13;
	s12 =	sadd.s32 s16, s12  }
0x13: {  	[hbm4b:s12+s13] =	stream.strided.scatter [tilespmem:s14], [sflag:$0x2], $0x2000, s8, s13, $0x20;
	[tilespmem:$0x8080] =	vst v63  }
.LBB1_5:
0x14: {  	s14 =	sadd.s32 $0x1, s9  }
0x15: {  	s12 =	sadd.s32 $0x1000, s10;
	s16 =	smov.u32 s10;
	p2 =	sgt.s32 s14, $0xC7  }
0x16: {  	s16 =	smov.u32 @p2 s12  }
0x17: {  	s14 =	simm.s32 @p2 $0x0;
	p2 =	sgt.s32 s16, $0xFFF  }
0x18: {  	s16 =	smov.u32 @p2 s2;
	p2 =	sne.s32 s11, s7  }
.Ltmp1:
0x19: {  	p1 =	slt.u32 s11, $0x2;
	(pc) =	sbr.rel @!p2 .LBB1_6-.Ltmp1, $4  }
0x1a: {  	s15 =	simm.s32 @!p1 $0x2  }
0x1b: {  	s13 =	smov.u32 s10;
	p0 =	por !p0, !p0;
	_ =	swait.ge @!p1 [sflag:s15], $0x2000  }
0x1c: {  	s12 =	smov.u32 s9;
	[sflag:s15] =	ssyncset.done @!p1 $0x0;
	s9 =	smov.u32 s14  }
0x1d: {  	s11 =	sadd.s32 $0x1, s11;
	[sflag:s15] =	ssyncadd.s32 @!p1 $0xFFFFE000;
	s10 =	smov.u32 s16  }
.LBB1_1:
0x1e: {  	p1 =	sge.u32 s11, s5  }
0x1f: {  	s14 =	sand.u32 @!p1 $0x1FFFFFF, s9  }
0x20: {  	s15 =	smulhi.u32 @!p1 $0x147AE15, s14;
	_ =	sdelay $0x1  }
0x21: {  	s15 =	smul.u32 @!p1 $0xC8, s15  }
0x22: {  	s16 =	sxor.u32 @!p1 $0xFFFFFFFF, s11;
	s17 =	smul.u32 @!p1 $0xC80, s10  }
0x23: {  	s31 =	sadd.s32 $0xFFFFFFFF, s11;
	s16 =	sshll.u32 @!p1 s16, $0xD;
	s14 =	ssub.s32 @!p1 s14, s15  }
0x24: {  	s15 =	sand.u32 @!p1 $0x2000, s16;
	s16 =	sadd.s32 @!p1 s6, s17;
	s14 =	sshll.u32 @!p1 s14, $0x4  }
0x25: {  	s17 =	simm.s32 @!p1 $0x6400;
	s14 =	sadd.s32 @!p1 s14, s16;
	s16 =	simm.s32 @!p1 $0x40  }
0x26: {  	[tilespmem:s15], [sflag:$0x1] =	stream.strided.gather @!p1 [hbm4b:s14+s16], $0x2000, s17, s16, $0x38;
	[tilespmem:$0x8080] =	vst v63  }
0x27: {  	p1 =	sge.u32 s31, s5  }
.Ltmp2:
0x28: {  	_ = 	snop;
	(pc) =	sbr.rel @p1 .LBB1_5-.Ltmp2, $1  }
0x29: {  	_ =	sdelay $0x3  }
0x2a: {  	s14 =	simm.s32 $0x1  }
0x2b: {  	_ =	swait.ge [sflag:s4], $0x2000;
	s14 =	simm.s32 @!p0 $0x0  }
0x2c: {  	[sflag:s4] =	ssyncset.done $0x0;
	s15 =	sshll.u32 s14, $0xD  }
0x2d: {  	[sflag:s4] =	ssyncadd.s32 $0xFFFFE000;
	s18 =	sor.u32 $0x20, s15  }
0x2e: {  	s14 =	smul.u32 $0x8100, s14;
	v3 =	vld [tilespmem:s18+$0x10]  }
0x2f: {  	s30 =	sand.u32 $0x1, s11;
	v2 =	vld [tilespmem:s18+$0xFFFFFFF0]  }
0x30: {  	s15 =	smul.u32 $0x8100, s30;
	s14 =	sshrl.u32 s14, $0x2;
	v0 =	vld [tilespmem:s18+$0x0]  }
0x31: {  	v1 =	vld [tilespmem:s18+$0xFFFFFFE0];
	s16 =	sor.u32 $0x4000, s14  }
0x32: {  	s31 =	sshrl.u32 s15, $0x2;
	s15 =	sadd.s32 $0x0, s16  }
0x33: {  	s17 =	simm.s32 $0x4;
	s18 =	sadd.s32 $0x40, s18;
	s14 =	sor.u32 $0x4000, s31;
	[tilespmem:s15+$0x1830 ss:$0x81] =	vst.msk $0xffff, v3  }
.LBB1_3:
0x34: {  	v3 =	vld [tilespmem:s18+$0x10];
	p1 =	sne.s32 s17, $0x1FC;
	[tilespmem:s15+$0x810 ss:$0x81] =	vst.msk $0xffff, v2;
	s19 =	smov.u32 s17;
	s17 =	sadd.s32 $0x4, s17  }
.Ltmp3:
0x35: {  	v2 =	vld [tilespmem:s18+$0xFFFFFFF0];
	[tilespmem:s15+$0x1020 ss:$0x81] =	vst.msk $0xffff, v0;
	(pc) =	sbr.rel @p1 .LBB1_3-.Ltmp3, $4  }
0x36: {  	v0 =	vld [tilespmem:s18+$0x0];
	[tilespmem:s15+$0x0 ss:$0x81] =	vst.msk $0xffff, v1  }
0x37: {  	s15 =	sshra.s32 s19, $0x2;
	v1 =	vld [tilespmem:s18+$0xFFFFFFE0]  }
0x38: {  	s15 =	sadd.s32 s15, s16  }
0x39: {  	s18 =	sadd.s32 $0x40, s18;
	[tilespmem:s15+$0x1830 ss:$0x81] =	vst.msk $0xffff, v3  }
.Ltmp4:
0x3a: {  	_ = 	snop;
	(pc) =	sbr.rel .LBB1_4-.Ltmp4, $1  }
0x3b: {  	_ =	sdelay $0x3  }
.LBB1_6:
0x3c: {  	_ =	sfence.sel $0x180000  }
0x3d: {  	s2 =	simm.s32 $0x1;
	[bflag:$0x0] =	sbarrier.arrive $0xFFFF  }
0x3e: {  	s31 =	simm.s32 $0x2;
	[sflag:s2] =	ssyncpa.u1 $0x1  }
0x3f: {  	[sflag:s31] =	ssyncpa.u1 $0x1  }
0x40: {  	p0 =	sne.s32 s0, $0x0;
	_ =	strace $0x9000004A  }
0x41: {  	s0 =	sadd.s32 @!p0 $0x100000, s1;
	[bflag:$0x2] =	sbarrier.arrive $0xFFFF  }
0x42: {  	[sflag:s0] =	ssyncadd.tile.s32 @!p0 $0x1;
	_ =	shalt  }
.Lfunc_end1:
_tile_overlayer_lowered:
.L_overlay_start_2:
0x43: {  	(tag) =	ssettag $0x2  }
0x44: {  	s0 =	rddreg [dreg:$0x0];
	s2 =	stileid.u32  }
0x45: {  	s1 =	rddreg [dreg:$0x1];
	p0 =	sne.s32 s2, $0x0  }
0x46: {  	s3 =	rddreg [dreg:$0x2];
	[bflag:$0x3] =	sbarrier.arrive $0xFFFF;
	s2 =	simm.s32 @!p0 $0x1C01  }
0x47: {  	[timem:s3], [sflag:s2] =	dma.local @!p0 [hbm:s0], s1  }
0x48: {  	s0 =	simm.s32 @!p0 $0x1  }
0x49: {  	_ =	swait.ge @!p0 [sflag:s0], s1  }
0x4a: {  	s1 =	ssub.s32 @!p0 $0x0, s1;
	[sflag:s0] =	ssyncset.done @!p0 $0x0  }
0x4b: {  	[sflag:s0] =	ssyncadd.s32 @!p0 s1  }
0x4c: {  	[bflag:$0x3] =	sbarrier.arrive $0xFFFF  }
0x4d: {  	_ =	shalt  }

</sc_bundles>
